<compile_context>
chip_gen: v7x
topology: tpu7x:2x2x1
jax: 0.10.2.dev20260603
libtpu: 0.0.44.dev20260713+nightly
codegen_flags: <defaults>
</compile_context>

<pallas_src>
import functools

import jax
import jax.numpy as jnp
from jax import lax
from jax.experimental import pallas as pl
from jax.experimental.pallas import tpu as pltpu
from jax.experimental.pallas import tpu_sc as plsc

_BATCH = 16384
_DIM = 64
_NREL = 1000
_NC = 2
_NS = 16
_L = 16
_NW = _NC * _NS
_BPW = _BATCH // _NW
_CH = 128
_NCHUNK = _BPW // _CH
_DU = 4


def _sc_body(headT_hbm, idx_hbm, tailT_hbm, table_hbm, out_hbm,
             table_v, idx_v, out_v, h0, h1, t0, t1, sem0, sem1, tsem):
    wid = lax.axis_index("s") * _NC + lax.axis_index("c")
    base = wid * _BPW

    tcopy = pltpu.async_copy(table_hbm, table_v, tsem)
    pltpu.sync_copy(idx_hbm.at[pl.ds(base, _BPW)], idx_v)

    hbufs, tbufs = (h0, h1), (t0, t1)
    sems = (sem0, sem1)
    lane = lax.iota(jnp.int32, _L)

    def fire(c):
        slot = c % 2
        col = base + c * _CH
        return [
            pltpu.async_copy(headT_hbm.at[:, pl.ds(col, _CH)], hbufs[slot],
                             sems[slot]),
            pltpu.async_copy(tailT_hbm.at[:, pl.ds(col, _CH)], tbufs[slot],
                             sems[slot]),
        ]

    inflight = {0: fire(0)}
    tcopy.wait()
    for c in range(_NCHUNK):
        slot = c % 2
        if c + 1 < _NCHUNK:
            inflight[c + 1] = fire(c + 1)
        for cp in inflight.pop(c):
            cp.wait()
        hv, tv = hbufs[slot], tbufs[slot]

        def group(g, _, c=c, hv=hv, tv=tv):
            blane = g * _L + lane
            rela = idx_v[pl.ds(c * _CH + g * _L, _L)] * _DIM

            def dstep(k, accs, hv=hv, tv=tv, blane=blane, rela=rela):
                new = []
                for q in range(_DU):
                    dvec = (lane + (k * _DU + q)) & (_DIM - 1)
                    h = plsc.load_gather(hv, [dvec, blane])
                    t = plsc.load_gather(tv, [dvec, blane])
                    r = plsc.load_gather(table_v, [rela + dvec])
                    new.append(accs[q] + h * r * t)
                return tuple(new)

            z = jnp.zeros((_L,), jnp.float32)
            accs = lax.fori_loop(0, _DIM // _DU, dstep, (z,) * _DU)
            acc = sum(accs[1:], accs[0])
            out_v[pl.ds(c * _CH + g * _L, _L)] = 1.0 / (1.0 + jnp.exp(-acc))
            return 0

        lax.fori_loop(0, _CH // _L, group, 0)

    pltpu.sync_copy(out_v, out_hbm.at[pl.ds(base, _BPW)])


@jax.jit
def _dist_mult_sc(head_e, rel_idx, tail_e, table):
    mesh = plsc.VectorSubcoreMesh(core_axis_name="c", subcore_axis_name="s")
    run = functools.partial(
        pl.kernel,
        out_type=jax.ShapeDtypeStruct((_BATCH,), jnp.float32),
        mesh=mesh,
        compiler_params=pltpu.CompilerParams(needs_layout_passes=False),
        scratch_types=[
            pltpu.VMEM((_NREL * _DIM,), jnp.float32),
            pltpu.VMEM((_BPW,), jnp.int32),
            pltpu.VMEM((_BPW,), jnp.float32),
            pltpu.VMEM((_DIM, _CH), jnp.float32),
            pltpu.VMEM((_DIM, _CH), jnp.float32),
            pltpu.VMEM((_DIM, _CH), jnp.float32),
            pltpu.VMEM((_DIM, _CH), jnp.float32),
            pltpu.SemaphoreType.DMA,
            pltpu.SemaphoreType.DMA,
            pltpu.SemaphoreType.DMA,
        ],
    )(_sc_body)
    return run(head_e.T, rel_idx, tail_e.T, table.reshape(-1))


def kernel(head_e, rel_idx, tail_e, kernel):
    score = _dist_mult_sc(head_e, rel_idx.astype(jnp.int32), tail_e, kernel)
    return score.reshape(1, _BATCH)

# --- scband reference (transcript-rebuilt; emitter-appended) ---
"""Pipeline reference for scband-dist-mult-18588618457683 (READ-ONLY COPY).

The authoritative reference and input builder live on the scoring server;
editing this copy changes nothing except your own understanding.
"""

import jax, jax.numpy as jnp
import numpy as np

NUM_RELATIONS = 1000
EMBED_DIM = 64
BATCH = 16384

def setup_inputs(seed: int = 0) -> dict:
    key = jax.random.key(seed)
    k1, k2, k3, k4 = jax.random.split(key, 4)
    head_e = jax.random.normal(k1, (BATCH, EMBED_DIM), dtype=jnp.float32)
    tail_e = jax.random.normal(k2, (BATCH, EMBED_DIM), dtype=jnp.float32)
    rel_idx = jax.random.randint(k3, (BATCH,), 0, NUM_RELATIONS, dtype=jnp.int64 if jax.config.jax_enable_x64 else jnp.int32)
    # learned relation embedding table (RandomNormal stddev=1)
    kernel = jax.random.normal(k4, (NUM_RELATIONS, EMBED_DIM), dtype=jnp.float32)
    return {"head_e": head_e, "rel_idx": rel_idx, "tail_e": tail_e, "kernel": kernel}

def reference(head_e, rel_idx, tail_e, kernel):
    # rel_e = tf.nn.embedding_lookup(kernel, rel_idx)
    rel_e = jnp.take(kernel, rel_idx, axis=0)
    score = jax.nn.sigmoid(jnp.sum(head_e * rel_e * tail_e, axis=-1))
    return jnp.expand_dims(score, axis=0)

if __name__ == "__main__":
    import jax
    _d = setup_inputs()
    print(jax.jit(kernel)(*tuple(_d.values())))

</pallas_src>

<mosaic_0001>
#map = affine_map<(d0, d1) -> (0, 0)>
#map1 = affine_map<(d0, d1) -> (0)>
module attributes {stable_mosaic.version = 14 : i64} {
  func.func @_sc_body(%arg0: i32, %arg1: i32, %arg2: memref<64x16384xf32, #tpu.memory_space<hbm>>, %arg3: memref<16384xi32, #tpu.memory_space<hbm>>, %arg4: memref<64x16384xf32, #tpu.memory_space<hbm>>, %arg5: memref<64000xf32, #tpu.memory_space<hbm>>, %arg6: memref<16384xf32, #tpu.memory_space<hbm>>, %arg7: memref<64000xf32, #tpu.memory_space<vmem>>, %arg8: memref<512xi32, #tpu.memory_space<vmem>>, %arg9: memref<512xf32, #tpu.memory_space<vmem>>, %arg10: memref<64x128xf32, #tpu.memory_space<vmem>>, %arg11: memref<64x128xf32, #tpu.memory_space<vmem>>, %arg12: memref<64x128xf32, #tpu.memory_space<vmem>>, %arg13: memref<64x128xf32, #tpu.memory_space<vmem>>, %arg14: memref<!tpu.dma_semaphore, #tpu.memory_space<semaphore_mem>>, %arg15: memref<!tpu.dma_semaphore, #tpu.memory_space<semaphore_mem>>, %arg16: memref<!tpu.dma_semaphore, #tpu.memory_space<semaphore_mem>>) attributes {dimension_semantics = [#tpu.dimension_semantics<core_parallel>, #tpu.dimension_semantics<subcore_parallel>], iteration_bounds = array<i64: 2, 16>, scalar_prefetch = 0 : i64, scratch_operands = 10 : i64, tpu.core_type = #tpu.core_type<sc_vector_subcore>, window_params = [{transform_indices = #map}, {transform_indices = #map1}, {transform_indices = #map}, {transform_indices = #map1}, {transform_indices = #map1}]} {
    %mul3A = arith.constant 2 : i32
    %mul3A_0 = arith.muli %arg1, %mul3A : i32
    %add3A = arith.addi %mul3A_0, %arg0 : i32
    %mul3A_1 = arith.constant 512 : i32
    %mul3A_2 = arith.muli %add3A, %mul3A_1 : i32
    tpu.enqueue_dma source(%arg5 : memref<64000xf32, #tpu.memory_space<hbm>>) target(%arg7 : memref<64000xf32, #tpu.memory_space<vmem>>) target_semaphore(%arg16 : memref<!tpu.dma_semaphore, #tpu.memory_space<semaphore_mem>>)
    "tpu.region"() ({
      %run_scoped3A = tpu.sem_alloc : memref<!tpu.dma_semaphore, #tpu.memory_space<semaphore_mem>>
      %dma_start3A_100 = tpu.memref_slice %arg3[%mul3A_2] : memref<16384xi32, #tpu.memory_space<hbm>> -> memref<512xi32, #tpu.memory_space<hbm>>
      %dma_start3A_101 = tpu.memref_slice %arg3[%mul3A_2] : memref<16384xi32, #tpu.memory_space<hbm>> -> memref<512xi32, #tpu.memory_space<hbm>>
      tpu.enqueue_dma source(%dma_start3A_101 : memref<512xi32, #tpu.memory_space<hbm>>) target(%arg8 : memref<512xi32, #tpu.memory_space<vmem>>) target_semaphore(%run_scoped3A : memref<!tpu.dma_semaphore, #tpu.memory_space<semaphore_mem>>)
      %dma_wait3A_102 = tpu.memref_slice %arg3[%mul3A_2] : memref<16384xi32, #tpu.memory_space<hbm>> -> memref<512xi32, #tpu.memory_space<hbm>>
      %dma_wait3A_103 = tpu.memref_slice %arg3[%mul3A_2] : memref<16384xi32, #tpu.memory_space<hbm>> -> memref<512xi32, #tpu.memory_space<hbm>>
      tpu.wait_dma2 semaphore(%run_scoped3A : memref<!tpu.dma_semaphore, #tpu.memory_space<semaphore_mem>>) src(%dma_wait3A_103 : memref<512xi32, #tpu.memory_space<hbm>>) dst(%arg8 : memref<512xi32, #tpu.memory_space<vmem>>)
      tpu.yield
    }) : () -> ()
    %iota3A = tpu.iota {dimensions = array<i32: 0>} : vector<16xi32>
    %add3A_3 = arith.constant 0 : i32
    %add3A_4 = arith.addi %mul3A_2, %add3A_3 : i32
    %dma_start3A = arith.constant 0 : i32
    %dma_start3A_5 = tpu.memref_slice %arg2[%dma_start3A, %add3A_4] : memref<64x16384xf32, #tpu.memory_space<hbm>> -> memref<64x128xf32, #tpu.memory_space<hbm>>
    %dma_start3A_6 = arith.constant 0 : i32
    %dma_start3A_7 = tpu.memref_slice %arg2[%dma_start3A_6, %add3A_4] : memref<64x16384xf32, #tpu.memory_space<hbm>> -> memref<64x128xf32, #tpu.memory_space<hbm>>
    tpu.enqueue_dma source(%dma_start3A_7 : memref<64x128xf32, #tpu.memory_space<hbm>>) target(%arg10 : memref<64x128xf32, #tpu.memory_space<vmem>>) target_semaphore(%arg14 : memref<!tpu.dma_semaphore, #tpu.memory_space<semaphore_mem>>)
    %dma_start3A_8 = arith.constant 0 : i32
    %dma_start3A_9 = tpu.memref_slice %arg4[%dma_start3A_8, %add3A_4] : memref<64x16384xf32, #tpu.memory_space<hbm>> -> memref<64x128xf32, #tpu.memory_space<hbm>>
    %dma_start3A_10 = arith.constant 0 : i32
    %dma_start3A_11 = tpu.memref_slice %arg4[%dma_start3A_10, %add3A_4] : memref<64x16384xf32, #tpu.memory_space<hbm>> -> memref<64x128xf32, #tpu.memory_space<hbm>>
    tpu.enqueue_dma source(%dma_start3A_11 : memref<64x128xf32, #tpu.memory_space<hbm>>) target(%arg12 : memref<64x128xf32, #tpu.memory_space<vmem>>) target_semaphore(%arg14 : memref<!tpu.dma_semaphore, #tpu.memory_space<semaphore_mem>>)
    tpu.wait_dma2 semaphore(%arg16 : memref<!tpu.dma_semaphore, #tpu.memory_space<semaphore_mem>>) src(%arg5 : memref<64000xf32, #tpu.memory_space<hbm>>) dst(%arg7 : memref<64000xf32, #tpu.memory_space<vmem>>)
    %add3A_12 = arith.constant 128 : i32
    %add3A_13 = arith.addi %mul3A_2, %add3A_12 : i32
    %dma_start3A_14 = arith.constant 0 : i32
    %dma_start3A_15 = tpu.memref_slice %arg2[%dma_start3A_14, %add3A_13] : memref<64x16384xf32, #tpu.memory_space<hbm>> -> memref<64x128xf32, #tpu.memory_space<hbm>>
    %dma_start3A_16 = arith.constant 0 : i32
    %dma_start3A_17 = tpu.memref_slice %arg2[%dma_start3A_16, %add3A_13] : memref<64x16384xf32, #tpu.memory_space<hbm>> -> memref<64x128xf32, #tpu.memory_space<hbm>>
    tpu.enqueue_dma source(%dma_start3A_17 : memref<64x128xf32, #tpu.memory_space<hbm>>) target(%arg11 : memref<64x128xf32, #tpu.memory_space<vmem>>) target_semaphore(%arg15 : memref<!tpu.dma_semaphore, #tpu.memory_space<semaphore_mem>>)
    %dma_start3A_18 = arith.constant 0 : i32
    %dma_start3A_19 = tpu.memref_slice %arg4[%dma_start3A_18, %add3A_13] : memref<64x16384xf32, #tpu.memory_space<hbm>> -> memref<64x128xf32, #tpu.memory_space<hbm>>
    %dma_start3A_20 = arith.constant 0 : i32
    %dma_start3A_21 = tpu.memref_slice %arg4[%dma_start3A_20, %add3A_13] : memref<64x16384xf32, #tpu.memory_space<hbm>> -> memref<64x128xf32, #tpu.memory_space<hbm>>
    tpu.enqueue_dma source(%dma_start3A_21 : memref<64x128xf32, #tpu.memory_space<hbm>>) target(%arg13 : memref<64x128xf32, #tpu.memory_space<vmem>>) target_semaphore(%arg15 : memref<!tpu.dma_semaphore, #tpu.memory_space<semaphore_mem>>)
    %dma_wait3A = arith.constant 0 : i32
    %dma_wait3A_22 = tpu.memref_slice %arg2[%dma_wait3A, %add3A_4] : memref<64x16384xf32, #tpu.memory_space<hbm>> -> memref<64x128xf32, #tpu.memory_space<hbm>>
    %dma_wait3A_23 = arith.constant 0 : i32
    %dma_wait3A_24 = tpu.memref_slice %arg2[%dma_wait3A_23, %add3A_4] : memref<64x16384xf32, #tpu.memory_space<hbm>> -> memref<64x128xf32, #tpu.memory_space<hbm>>
    tpu.wait_dma2 semaphore(%arg14 : memref<!tpu.dma_semaphore, #tpu.memory_space<semaphore_mem>>) src(%dma_wait3A_24 : memref<64x128xf32, #tpu.memory_space<hbm>>) dst(%arg10 : memref<64x128xf32, #tpu.memory_space<vmem>>)
    %dma_wait3A_25 = arith.constant 0 : i32
    %dma_wait3A_26 = tpu.memref_slice %arg4[%dma_wait3A_25, %add3A_4] : memref<64x16384xf32, #tpu.memory_space<hbm>> -> memref<64x128xf32, #tpu.memory_space<hbm>>
    %dma_wait3A_27 = arith.constant 0 : i32
    %dma_wait3A_28 = tpu.memref_slice %arg4[%dma_wait3A_27, %add3A_4] : memref<64x16384xf32, #tpu.memory_space<hbm>> -> memref<64x128xf32, #tpu.memory_space<hbm>>
    tpu.wait_dma2 semaphore(%arg14 : memref<!tpu.dma_semaphore, #tpu.memory_space<semaphore_mem>>) src(%dma_wait3A_28 : memref<64x128xf32, #tpu.memory_space<hbm>>) dst(%arg12 : memref<64x128xf32, #tpu.memory_space<vmem>>)
    %scan3A = arith.constant 0 : i32
    %scan3A_29 = arith.constant 0 : i32
    %scan3A_30 = arith.constant 8 : i32
    %scan3A_31 = arith.addi %scan3A_29, %scan3A_30 : i32
    %scan3A_32 = arith.constant 1 : i32
    %scan3A_33 = scf.for %scan3A_100 = %scan3A_29 to %scan3A_31 step %scan3A_32 iter_args(%scan3A_101 = %scan3A) -> (i32)  : i32 {
      %mul3A_102 = arith.constant 16 : i32
      %mul3A_103 = arith.muli %scan3A_100, %mul3A_102 : i32
      %add3A_104 = vector.broadcast %mul3A_103 : i32 to vector<16xi32>
      %add3A_105 = arith.addi %add3A_104, %iota3A : vector<16xi32>
      %mul3A_106 = arith.constant 16 : i32
      %mul3A_107 = arith.muli %scan3A_100, %mul3A_106 : i32
      %add3A_108 = arith.constant 0 : i32
      %add3A_109 = arith.addi %add3A_108, %mul3A_107 : i32
      %get3A = arith.index_cast %add3A_109 : i32 to index
      %get3A_110 = tpu.vector_load %arg8[%get3A] {strides = array<i32>} : memref<512xi32, #tpu.memory_space<vmem>>, vector<16xi32>,
      %mul3A_111 = arith.constant 64 : i32
      %mul3A_112 = vector.broadcast %mul3A_111 : i32 to vector<16xi32>
      %mul3A_113 = arith.muli %get3A_110, %mul3A_112 : vector<16xi32>
      %broadcast_in_dim3A = arith.constant 0.000000e+00 : f32
      %broadcast_in_dim3A_114 = vector.broadcast %broadcast_in_dim3A : f32 to vector<16xf32>
      %scan3A_115 = arith.constant 0 : i32
      %scan3A_116 = arith.constant 16 : i32
      %scan3A_117 = arith.addi %scan3A_115, %scan3A_116 : i32
      %scan3A_118 = arith.constant 1 : i32
      %scan3A_119:4 = scf.for %scan3A_137 = %scan3A_115 to %scan3A_117 step %scan3A_118 iter_args(%scan3A_138 = %broadcast_in_dim3A_114, %scan3A_139 = %broadcast_in_dim3A_114, %scan3A_140 = %broadcast_in_dim3A_114, %scan3A_141 = %broadcast_in_dim3A_114) -> (vector<16xf32>, vector<16xf32>, vector<16xf32>, vector<16xf32>)  : i32 {
        %mul3A_142 = arith.constant 4 : i32
        %mul3A_143 = arith.muli %scan3A_137, %mul3A_142 : i32
        %add3A_144 = arith.constant 0 : i32
        %add3A_145 = arith.addi %mul3A_143, %add3A_144 : i32
        %add3A_146 = vector.broadcast %add3A_145 : i32 to vector<16xi32>
        %add3A_147 = arith.addi %iota3A, %add3A_146 : vector<16xi32>
        %and3A = arith.constant 63 : i32
        %and3A_148 = vector.broadcast %and3A : i32 to vector<16xi32>
        %and3A_149 = arith.andi %add3A_147, %and3A_148 : vector<16xi32>
        %gather3A = tpu.vector_load_idx %arg10[%and3A_149, %add3A_105] : memref<64x128xf32, #tpu.memory_space<vmem>>[vector<16xi32>, vector<16xi32>], vector<16xf32>,
        %gather3A_150 = tpu.vector_load_idx %arg12[%and3A_149, %add3A_105] : memref<64x128xf32, #tpu.memory_space<vmem>>[vector<16xi32>, vector<16xi32>], vector<16xf32>,
        %add3A_151 = arith.addi %mul3A_113, %and3A_149 : vector<16xi32>
        %gather3A_152 = tpu.vector_load_idx %arg7[%add3A_151] : memref<64000xf32, #tpu.memory_space<vmem>>[vector<16xi32>], vector<16xf32>,
        %mul3A_153 = arith.mulf %gather3A, %gather3A_152 : vector<16xf32>
        %mul3A_154 = arith.mulf %mul3A_153, %gather3A_150 : vector<16xf32>
        %add3A_155 = arith.addf %scan3A_138, %mul3A_154 : vector<16xf32>
        %mul3A_156 = arith.constant 4 : i32
        %mul3A_157 = arith.muli %scan3A_137, %mul3A_156 : i32
        %add3A_158 = arith.constant 1 : i32
        %add3A_159 = arith.addi %mul3A_157, %add3A_158 : i32
        %add3A_160 = vector.broadcast %add3A_159 : i32 to vector<16xi32>
        %add3A_161 = arith.addi %iota3A, %add3A_160 : vector<16xi32>
        %and3A_162 = arith.constant 63 : i32
        %and3A_163 = vector.broadcast %and3A_162 : i32 to vector<16xi32>
        %and3A_164 = arith.andi %add3A_161, %and3A_163 : vector<16xi32>
        %gather3A_165 = tpu.vector_load_idx %arg10[%and3A_164, %add3A_105] : memref<64x128xf32, #tpu.memory_space<vmem>>[vector<16xi32>, vector<16xi32>], vector<16xf32>,
        %gather3A_166 = tpu.vector_load_idx %arg12[%and3A_164, %add3A_105] : memref<64x128xf32, #tpu.memory_space<vmem>>[vector<16xi32>, vector<16xi32>], vector<16xf32>,
        %add3A_167 = arith.addi %mul3A_113, %and3A_164 : vector<16xi32>
        %gather3A_168 = tpu.vector_load_idx %arg7[%add3A_167] : memref<64000xf32, #tpu.memory_space<vmem>>[vector<16xi32>], vector<16xf32>,
        %mul3A_169 = arith.mulf %gather3A_165, %gather3A_168 : vector<16xf32>
        %mul3A_170 = arith.mulf %mul3A_169, %gather3A_166 : vector<16xf32>
        %add3A_171 = arith.addf %scan3A_139, %mul3A_170 : vector<16xf32>
        %mul3A_172 = arith.constant 4 : i32
        %mul3A_173 = arith.muli %scan3A_137, %mul3A_172 : i32
        %add3A_174 = arith.constant 2 : i32
        %add3A_175 = arith.addi %mul3A_173, %add3A_174 : i32
        %add3A_176 = vector.broadcast %add3A_175 : i32 to vector<16xi32>
        %add3A_177 = arith.addi %iota3A, %add3A_176 : vector<16xi32>
        %and3A_178 = arith.constant 63 : i32
        %and3A_179 = vector.broadcast %and3A_178 : i32 to vector<16xi32>
        %and3A_180 = arith.andi %add3A_177, %and3A_179 : vector<16xi32>
        %gather3A_181 = tpu.vector_load_idx %arg10[%and3A_180, %add3A_105] : memref<64x128xf32, #tpu.memory_space<vmem>>[vector<16xi32>, vector<16xi32>], vector<16xf32>,
        %gather3A_182 = tpu.vector_load_idx %arg12[%and3A_180, %add3A_105] : memref<64x128xf32, #tpu.memory_space<vmem>>[vector<16xi32>, vector<16xi32>], vector<16xf32>,
        %add3A_183 = arith.addi %mul3A_113, %and3A_180 : vector<16xi32>
        %gather3A_184 = tpu.vector_load_idx %arg7[%add3A_183] : memref<64000xf32, #tpu.memory_space<vmem>>[vector<16xi32>], vector<16xf32>,
        %mul3A_185 = arith.mulf %gather3A_181, %gather3A_184 : vector<16xf32>
        %mul3A_186 = arith.mulf %mul3A_185, %gather3A_182 : vector<16xf32>
        %add3A_187 = arith.addf %scan3A_140, %mul3A_186 : vector<16xf32>
        %mul3A_188 = arith.constant 4 : i32
        %mul3A_189 = arith.muli %scan3A_137, %mul3A_188 : i32
        %add3A_190 = arith.constant 3 : i32
        %add3A_191 = arith.addi %mul3A_189, %add3A_190 : i32
        %add3A_192 = vector.broadcast %add3A_191 : i32 to vector<16xi32>
        %add3A_193 = arith.addi %iota3A, %add3A_192 : vector<16xi32>
        %and3A_194 = arith.constant 63 : i32
        %and3A_195 = vector.broadcast %and3A_194 : i32 to vector<16xi32>
        %and3A_196 = arith.andi %add3A_193, %and3A_195 : vector<16xi32>
        %gather3A_197 = tpu.vector_load_idx %arg10[%and3A_196, %add3A_105] : memref<64x128xf32, #tpu.memory_space<vmem>>[vector<16xi32>, vector<16xi32>], vector<16xf32>,
        %gather3A_198 = tpu.vector_load_idx %arg12[%and3A_196, %add3A_105] : memref<64x128xf32, #tpu.memory_space<vmem>>[vector<16xi32>, vector<16xi32>], vector<16xf32>,
        %add3A_199 = arith.addi %mul3A_113, %and3A_196 : vector<16xi32>
        %gather3A_200 = tpu.vector_load_idx %arg7[%add3A_199] : memref<64000xf32, #tpu.memory_space<vmem>>[vector<16xi32>], vector<16xf32>,
        %mul3A_201 = arith.mulf %gather3A_197, %gather3A_200 : vector<16xf32>
        %mul3A_202 = arith.mulf %mul3A_201, %gather3A_198 : vector<16xf32>
        %add3A_203 = arith.addf %scan3A_141, %mul3A_202 : vector<16xf32>
        scf.yield %add3A_155, %add3A_171, %add3A_187, %add3A_203 : vector<16xf32>, vector<16xf32>, vector<16xf32>, vector<16xf32>
      }
      %scan3A_120 = arith.constant 16 : i32
      %add3A_121 = arith.addf %scan3A_119#0, %scan3A_119#1 : vector<16xf32>
      %add3A_122 = arith.addf %add3A_121, %scan3A_119#2 : vector<16xf32>
      %add3A_123 = arith.addf %add3A_122, %scan3A_119#3 : vector<16xf32>
      %neg3A = arith.constant 0.000000e+00 : f32
      %neg3A_124 = vector.broadcast %neg3A : f32 to vector<16xf32>
      %neg3A_125 = arith.subf %neg3A_124, %add3A_123 : vector<16xf32>
      %exp3A = math.exp %neg3A_125 : vector<16xf32>
      %add3A_126 = arith.constant 1.000000e+00 : f32
      %add3A_127 = vector.broadcast %add3A_126 : f32 to vector<16xf32>
      %add3A_128 = arith.addf %add3A_127, %exp3A : vector<16xf32>
      %div3A = arith.constant 1.000000e+00 : f32
      %div3A_129 = vector.broadcast %div3A : f32 to vector<16xf32>
      %div3A_130 = arith.divf %div3A_129, %add3A_128 : vector<16xf32>
      %mul3A_131 = arith.constant 16 : i32
      %mul3A_132 = arith.muli %scan3A_100, %mul3A_131 : i32
      %add3A_133 = arith.constant 0 : i32
      %add3A_134 = arith.addi %add3A_133, %mul3A_132 : i32
      %swap3A = arith.index_cast %add3A_134 : i32 to index
      %swap3A_135 = tpu.vector_load %arg9[%swap3A] {strides = array<i32>} : memref<512xf32, #tpu.memory_space<vmem>>, vector<16xf32>,
      tpu.vector_store %arg9[%swap3A], %div3A_130 {strides = array<i32>} : memref<512xf32, #tpu.memory_space<vmem>>, vector<16xf32>,
      %scan3A_136 = arith.constant 0 : i32
      scf.yield %scan3A_136 : i32
    }
    %scan3A_34 = arith.constant 8 : i32
    %add3A_35 = arith.constant 256 : i32
    %add3A_36 = arith.addi %mul3A_2, %add3A_35 : i32
    %dma_start3A_37 = arith.constant 0 : i32
    %dma_start3A_38 = tpu.memref_slice %arg2[%dma_start3A_37, %add3A_36] : memref<64x16384xf32, #tpu.memory_space<hbm>> -> memref<64x128xf32, #tpu.memory_space<hbm>>
    %dma_start3A_39 = arith.constant 0 : i32
    %dma_start3A_40 = tpu.memref_slice %arg2[%dma_start3A_39, %add3A_36] : memref<64x16384xf32, #tpu.memory_space<hbm>> -> memref<64x128xf32, #tpu.memory_space<hbm>>
    tpu.enqueue_dma source(%dma_start3A_40 : memref<64x128xf32, #tpu.memory_space<hbm>>) target(%arg10 : memref<64x128xf32, #tpu.memory_space<vmem>>) target_semaphore(%arg14 : memref<!tpu.dma_semaphore, #tpu.memory_space<semaphore_mem>>)
    %dma_start3A_41 = arith.constant 0 : i32
    %dma_start3A_42 = tpu.memref_slice %arg4[%dma_start3A_41, %add3A_36] : memref<64x16384xf32, #tpu.memory_space<hbm>> -> memref<64x128xf32, #tpu.memory_space<hbm>>
    %dma_start3A_43 = arith.constant 0 : i32
    %dma_start3A_44 = tpu.memref_slice %arg4[%dma_start3A_43, %add3A_36] : memref<64x16384xf32, #tpu.memory_space<hbm>> -> memref<64x128xf32, #tpu.memory_space<hbm>>
    tpu.enqueue_dma source(%dma_start3A_44 : memref<64x128xf32, #tpu.memory_space<hbm>>) target(%arg12 : memref<64x128xf32, #tpu.memory_space<vmem>>) target_semaphore(%arg14 : memref<!tpu.dma_semaphore, #tpu.memory_space<semaphore_mem>>)
    %dma_wait3A_45 = arith.constant 0 : i32
    %dma_wait3A_46 = tpu.memref_slice %arg2[%dma_wait3A_45, %add3A_13] : memref<64x16384xf32, #tpu.memory_space<hbm>> -> memref<64x128xf32, #tpu.memory_space<hbm>>
    %dma_wait3A_47 = arith.constant 0 : i32
    %dma_wait3A_48 = tpu.memref_slice %arg2[%dma_wait3A_47, %add3A_13] : memref<64x16384xf32, #tpu.memory_space<hbm>> -> memref<64x128xf32, #tpu.memory_space<hbm>>
    tpu.wait_dma2 semaphore(%arg15 : memref<!tpu.dma_semaphore, #tpu.memory_space<semaphore_mem>>) src(%dma_wait3A_48 : memref<64x128xf32, #tpu.memory_space<hbm>>) dst(%arg11 : memref<64x128xf32, #tpu.memory_space<vmem>>)
    %dma_wait3A_49 = arith.constant 0 : i32
    %dma_wait3A_50 = tpu.memref_slice %arg4[%dma_wait3A_49, %add3A_13] : memref<64x16384xf32, #tpu.memory_space<hbm>> -> memref<64x128xf32, #tpu.memory_space<hbm>>
    %dma_wait3A_51 = arith.constant 0 : i32
    %dma_wait3A_52 = tpu.memref_slice %arg4[%dma_wait3A_51, %add3A_13] : memref<64x16384xf32, #tpu.memory_space<hbm>> -> memref<64x128xf32, #tpu.memory_space<hbm>>
    tpu.wait_dma2 semaphore(%arg15 : memref<!tpu.dma_semaphore, #tpu.memory_space<semaphore_mem>>) src(%dma_wait3A_52 : memref<64x128xf32, #tpu.memory_space<hbm>>) dst(%arg13 : memref<64x128xf32, #tpu.memory_space<vmem>>)
    %scan3A_53 = arith.constant 0 : i32
    %scan3A_54 = arith.constant 0 : i32
    %scan3A_55 = arith.constant 8 : i32
    %scan3A_56 = arith.addi %scan3A_54, %scan3A_55 : i32
    %scan3A_57 = arith.constant 1 : i32
    %scan3A_58 = scf.for %scan3A_100 = %scan3A_54 to %scan3A_56 step %scan3A_57 iter_args(%scan3A_101 = %scan3A_53) -> (i32)  : i32 {
      %mul3A_102 = arith.constant 16 : i32
      %mul3A_103 = arith.muli %scan3A_100, %mul3A_102 : i32
      %add3A_104 = vector.broadcast %mul3A_103 : i32 to vector<16xi32>
      %add3A_105 = arith.addi %add3A_104, %iota3A : vector<16xi32>
      %mul3A_106 = arith.constant 16 : i32
      %mul3A_107 = arith.muli %scan3A_100, %mul3A_106 : i32
      %add3A_108 = arith.constant 128 : i32
      %add3A_109 = arith.addi %add3A_108, %mul3A_107 : i32
      %get3A = arith.index_cast %add3A_109 : i32 to index
      %get3A_110 = tpu.vector_load %arg8[%get3A] {strides = array<i32>} : memref<512xi32, #tpu.memory_space<vmem>>, vector<16xi32>,
      %mul3A_111 = arith.constant 64 : i32
      %mul3A_112 = vector.broadcast %mul3A_111 : i32 to vector<16xi32>
      %mul3A_113 = arith.muli %get3A_110, %mul3A_112 : vector<16xi32>
      %broadcast_in_dim3A = arith.constant 0.000000e+00 : f32
      %broadcast_in_dim3A_114 = vector.broadcast %broadcast_in_dim3A : f32 to vector<16xf32>
      %scan3A_115 = arith.constant 0 : i32
      %scan3A_116 = arith.constant 16 : i32
      %scan3A_117 = arith.addi %scan3A_115, %scan3A_116 : i32
      %scan3A_118 = arith.constant 1 : i32
      %scan3A_119:4 = scf.for %scan3A_137 = %scan3A_115 to %scan3A_117 step %scan3A_118 iter_args(%scan3A_138 = %broadcast_in_dim3A_114, %scan3A_139 = %broadcast_in_dim3A_114, %scan3A_140 = %broadcast_in_dim3A_114, %scan3A_141 = %broadcast_in_dim3A_114) -> (vector<16xf32>, vector<16xf32>, vector<16xf32>, vector<16xf32>)  : i32 {
        %mul3A_142 = arith.constant 4 : i32
        %mul3A_143 = arith.muli %scan3A_137, %mul3A_142 : i32
        %add3A_144 = arith.constant 0 : i32
        %add3A_145 = arith.addi %mul3A_143, %add3A_144 : i32
        %add3A_146 = vector.broadcast %add3A_145 : i32 to vector<16xi32>
        %add3A_147 = arith.addi %iota3A, %add3A_146 : vector<16xi32>
        %and3A = arith.constant 63 : i32
        %and3A_148 = vector.broadcast %and3A : i32 to vector<16xi32>
        %and3A_149 = arith.andi %add3A_147, %and3A_148 : vector<16xi32>
        %gather3A = tpu.vector_load_idx %arg11[%and3A_149, %add3A_105] : memref<64x128xf32, #tpu.memory_space<vmem>>[vector<16xi32>, vector<16xi32>], vector<16xf32>,
        %gather3A_150 = tpu.vector_load_idx %arg13[%and3A_149, %add3A_105] : memref<64x128xf32, #tpu.memory_space<vmem>>[vector<16xi32>, vector<16xi32>], vector<16xf32>,
        %add3A_151 = arith.addi %mul3A_113, %and3A_149 : vector<16xi32>
        %gather3A_152 = tpu.vector_load_idx %arg7[%add3A_151] : memref<64000xf32, #tpu.memory_space<vmem>>[vector<16xi32>], vector<16xf32>,
        %mul3A_153 = arith.mulf %gather3A, %gather3A_152 : vector<16xf32>
        %mul3A_154 = arith.mulf %mul3A_153, %gather3A_150 : vector<16xf32>
        %add3A_155 = arith.addf %scan3A_138, %mul3A_154 : vector<16xf32>
        %mul3A_156 = arith.constant 4 : i32
        %mul3A_157 = arith.muli %scan3A_137, %mul3A_156 : i32
        %add3A_158 = arith.constant 1 : i32
        %add3A_159 = arith.addi %mul3A_157, %add3A_158 : i32
        %add3A_160 = vector.broadcast %add3A_159 : i32 to vector<16xi32>
        %add3A_161 = arith.addi %iota3A, %add3A_160 : vector<16xi32>
        %and3A_162 = arith.constant 63 : i32
        %and3A_163 = vector.broadcast %and3A_162 : i32 to vector<16xi32>
        %and3A_164 = arith.andi %add3A_161, %and3A_163 : vector<16xi32>
        %gather3A_165 = tpu.vector_load_idx %arg11[%and3A_164, %add3A_105] : memref<64x128xf32, #tpu.memory_space<vmem>>[vector<16xi32>, vector<16xi32>], vector<16xf32>,
        %gather3A_166 = tpu.vector_load_idx %arg13[%and3A_164, %add3A_105] : memref<64x128xf32, #tpu.memory_space<vmem>>[vector<16xi32>, vector<16xi32>], vector<16xf32>,
        %add3A_167 = arith.addi %mul3A_113, %and3A_164 : vector<16xi32>
        %gather3A_168 = tpu.vector_load_idx %arg7[%add3A_167] : memref<64000xf32, #tpu.memory_space<vmem>>[vector<16xi32>], vector<16xf32>,
        %mul3A_169 = arith.mulf %gather3A_165, %gather3A_168 : vector<16xf32>
        %mul3A_170 = arith.mulf %mul3A_169, %gather3A_166 : vector<16xf32>
        %add3A_171 = arith.addf %scan3A_139, %mul3A_170 : vector<16xf32>
        %mul3A_172 = arith.constant 4 : i32
        %mul3A_173 = arith.muli %scan3A_137, %mul3A_172 : i32
        %add3A_174 = arith.constant 2 : i32
        %add3A_175 = arith.addi %mul3A_173, %add3A_174 : i32
        %add3A_176 = vector.broadcast %add3A_175 : i32 to vector<16xi32>
        %add3A_177 = arith.addi %iota3A, %add3A_176 : vector<16xi32>
        %and3A_178 = arith.constant 63 : i32
        %and3A_179 = vector.broadcast %and3A_178 : i32 to vector<16xi32>
        %and3A_180 = arith.andi %add3A_177, %and3A_179 : vector<16xi32>
        %gather3A_181 = tpu.vector_load_idx %arg11[%and3A_180, %add3A_105] : memref<64x128xf32, #tpu.memory_space<vmem>>[vector<16xi32>, vector<16xi32>], vector<16xf32>,
        %gather3A_182 = tpu.vector_load_idx %arg13[%and3A_180, %add3A_105] : memref<64x128xf32, #tpu.memory_space<vmem>>[vector<16xi32>, vector<16xi32>], vector<16xf32>,
        %add3A_183 = arith.addi %mul3A_113, %and3A_180 : vector<16xi32>
        %gather3A_184 = tpu.vector_load_idx %arg7[%add3A_183] : memref<64000xf32, #tpu.memory_space<vmem>>[vector<16xi32>], vector<16xf32>,
        %mul3A_185 = arith.mulf %gather3A_181, %gather3A_184 : vector<16xf32>
        %mul3A_186 = arith.mulf %mul3A_185, %gather3A_182 : vector<16xf32>
        %add3A_187 = arith.addf %scan3A_140, %mul3A_186 : vector<16xf32>
        %mul3A_188 = arith.constant 4 : i32
        %mul3A_189 = arith.muli %scan3A_137, %mul3A_188 : i32
        %add3A_190 = arith.constant 3 : i32
        %add3A_191 = arith.addi %mul3A_189, %add3A_190 : i32
        %add3A_192 = vector.broadcast %add3A_191 : i32 to vector<16xi32>
        %add3A_193 = arith.addi %iota3A, %add3A_192 : vector<16xi32>
        %and3A_194 = arith.constant 63 : i32
        %and3A_195 = vector.broadcast %and3A_194 : i32 to vector<16xi32>
        %and3A_196 = arith.andi %add3A_193, %and3A_195 : vector<16xi32>
        %gather3A_197 = tpu.vector_load_idx %arg11[%and3A_196, %add3A_105] : memref<64x128xf32, #tpu.memory_space<vmem>>[vector<16xi32>, vector<16xi32>], vector<16xf32>,
        %gather3A_198 = tpu.vector_load_idx %arg13[%and3A_196, %add3A_105] : memref<64x128xf32, #tpu.memory_space<vmem>>[vector<16xi32>, vector<16xi32>], vector<16xf32>,
        %add3A_199 = arith.addi %mul3A_113, %and3A_196 : vector<16xi32>
        %gather3A_200 = tpu.vector_load_idx %arg7[%add3A_199] : memref<64000xf32, #tpu.memory_space<vmem>>[vector<16xi32>], vector<16xf32>,
        %mul3A_201 = arith.mulf %gather3A_197, %gather3A_200 : vector<16xf32>
        %mul3A_202 = arith.mulf %mul3A_201, %gather3A_198 : vector<16xf32>
        %add3A_203 = arith.addf %scan3A_141, %mul3A_202 : vector<16xf32>
        scf.yield %add3A_155, %add3A_171, %add3A_187, %add3A_203 : vector<16xf32>, vector<16xf32>, vector<16xf32>, vector<16xf32>
      }
      %scan3A_120 = arith.constant 16 : i32
      %add3A_121 = arith.addf %scan3A_119#0, %scan3A_119#1 : vector<16xf32>
      %add3A_122 = arith.addf %add3A_121, %scan3A_119#2 : vector<16xf32>
      %add3A_123 = arith.addf %add3A_122, %scan3A_119#3 : vector<16xf32>
      %neg3A = arith.constant 0.000000e+00 : f32
      %neg3A_124 = vector.broadcast %neg3A : f32 to vector<16xf32>
      %neg3A_125 = arith.subf %neg3A_124, %add3A_123 : vector<16xf32>
      %exp3A = math.exp %neg3A_125 : vector<16xf32>
      %add3A_126 = arith.constant 1.000000e+00 : f32
      %add3A_127 = vector.broadcast %add3A_126 : f32 to vector<16xf32>
      %add3A_128 = arith.addf %add3A_127, %exp3A : vector<16xf32>
      %div3A = arith.constant 1.000000e+00 : f32
      %div3A_129 = vector.broadcast %div3A : f32 to vector<16xf32>
      %div3A_130 = arith.divf %div3A_129, %add3A_128 : vector<16xf32>
      %mul3A_131 = arith.constant 16 : i32
      %mul3A_132 = arith.muli %scan3A_100, %mul3A_131 : i32
      %add3A_133 = arith.constant 128 : i32
      %add3A_134 = arith.addi %add3A_133, %mul3A_132 : i32
      %swap3A = arith.index_cast %add3A_134 : i32 to index
      %swap3A_135 = tpu.vector_load %arg9[%swap3A] {strides = array<i32>} : memref<512xf32, #tpu.memory_space<vmem>>, vector<16xf32>,
      tpu.vector_store %arg9[%swap3A], %div3A_130 {strides = array<i32>} : memref<512xf32, #tpu.memory_space<vmem>>, vector<16xf32>,
      %scan3A_136 = arith.constant 0 : i32
      scf.yield %scan3A_136 : i32
    }
    %scan3A_59 = arith.constant 8 : i32
    %add3A_60 = arith.constant 384 : i32
    %add3A_61 = arith.addi %mul3A_2, %add3A_60 : i32
    %dma_start3A_62 = arith.constant 0 : i32
    %dma_start3A_63 = tpu.memref_slice %arg2[%dma_start3A_62, %add3A_61] : memref<64x16384xf32, #tpu.memory_space<hbm>> -> memref<64x128xf32, #tpu.memory_space<hbm>>
    %dma_start3A_64 = arith.constant 0 : i32
    %dma_start3A_65 = tpu.memref_slice %arg2[%dma_start3A_64, %add3A_61] : memref<64x16384xf32, #tpu.memory_space<hbm>> -> memref<64x128xf32, #tpu.memory_space<hbm>>
    tpu.enqueue_dma source(%dma_start3A_65 : memref<64x128xf32, #tpu.memory_space<hbm>>) target(%arg11 : memref<64x128xf32, #tpu.memory_space<vmem>>) target_semaphore(%arg15 : memref<!tpu.dma_semaphore, #tpu.memory_space<semaphore_mem>>)
    %dma_start3A_66 = arith.constant 0 : i32
    %dma_start3A_67 = tpu.memref_slice %arg4[%dma_start3A_66, %add3A_61] : memref<64x16384xf32, #tpu.memory_space<hbm>> -> memref<64x128xf32, #tpu.memory_space<hbm>>
    %dma_start3A_68 = arith.constant 0 : i32
    %dma_start3A_69 = tpu.memref_slice %arg4[%dma_start3A_68, %add3A_61] : memref<64x16384xf32, #tpu.memory_space<hbm>> -> memref<64x128xf32, #tpu.memory_space<hbm>>
    tpu.enqueue_dma source(%dma_start3A_69 : memref<64x128xf32, #tpu.memory_space<hbm>>) target(%arg13 : memref<64x128xf32, #tpu.memory_space<vmem>>) target_semaphore(%arg15 : memref<!tpu.dma_semaphore, #tpu.memory_space<semaphore_mem>>)
    %dma_wait3A_70 = arith.constant 0 : i32
    %dma_wait3A_71 = tpu.memref_slice %arg2[%dma_wait3A_70, %add3A_36] : memref<64x16384xf32, #tpu.memory_space<hbm>> -> memref<64x128xf32, #tpu.memory_space<hbm>>
    %dma_wait3A_72 = arith.constant 0 : i32
    %dma_wait3A_73 = tpu.memref_slice %arg2[%dma_wait3A_72, %add3A_36] : memref<64x16384xf32, #tpu.memory_space<hbm>> -> memref<64x128xf32, #tpu.memory_space<hbm>>
    tpu.wait_dma2 semaphore(%arg14 : memref<!tpu.dma_semaphore, #tpu.memory_space<semaphore_mem>>) src(%dma_wait3A_73 : memref<64x128xf32, #tpu.memory_space<hbm>>) dst(%arg10 : memref<64x128xf32, #tpu.memory_space<vmem>>)
    %dma_wait3A_74 = arith.constant 0 : i32
    %dma_wait3A_75 = tpu.memref_slice %arg4[%dma_wait3A_74, %add3A_36] : memref<64x16384xf32, #tpu.memory_space<hbm>> -> memref<64x128xf32, #tpu.memory_space<hbm>>
    %dma_wait3A_76 = arith.constant 0 : i32
    %dma_wait3A_77 = tpu.memref_slice %arg4[%dma_wait3A_76, %add3A_36] : memref<64x16384xf32, #tpu.memory_space<hbm>> -> memref<64x128xf32, #tpu.memory_space<hbm>>
    tpu.wait_dma2 semaphore(%arg14 : memref<!tpu.dma_semaphore, #tpu.memory_space<semaphore_mem>>) src(%dma_wait3A_77 : memref<64x128xf32, #tpu.memory_space<hbm>>) dst(%arg12 : memref<64x128xf32, #tpu.memory_space<vmem>>)
    %scan3A_78 = arith.constant 0 : i32
    %scan3A_79 = arith.constant 0 : i32
    %scan3A_80 = arith.constant 8 : i32
    %scan3A_81 = arith.addi %scan3A_79, %scan3A_80 : i32
    %scan3A_82 = arith.constant 1 : i32
    %scan3A_83 = scf.for %scan3A_100 = %scan3A_79 to %scan3A_81 step %scan3A_82 iter_args(%scan3A_101 = %scan3A_78) -> (i32)  : i32 {
      %mul3A_102 = arith.constant 16 : i32
      %mul3A_103 = arith.muli %scan3A_100, %mul3A_102 : i32
      %add3A_104 = vector.broadcast %mul3A_103 : i32 to vector<16xi32>
      %add3A_105 = arith.addi %add3A_104, %iota3A : vector<16xi32>
      %mul3A_106 = arith.constant 16 : i32
      %mul3A_107 = arith.muli %scan3A_100, %mul3A_106 : i32
      %add3A_108 = arith.constant 256 : i32
      %add3A_109 = arith.addi %add3A_108, %mul3A_107 : i32
      %get3A = arith.index_cast %add3A_109 : i32 to index
      %get3A_110 = tpu.vector_load %arg8[%get3A] {strides = array<i32>} : memref<512xi32, #tpu.memory_space<vmem>>, vector<16xi32>,
      %mul3A_111 = arith.constant 64 : i32
      %mul3A_112 = vector.broadcast %mul3A_111 : i32 to vector<16xi32>
      %mul3A_113 = arith.muli %get3A_110, %mul3A_112 : vector<16xi32>
      %broadcast_in_dim3A = arith.constant 0.000000e+00 : f32
      %broadcast_in_dim3A_114 = vector.broadcast %broadcast_in_dim3A : f32 to vector<16xf32>
      %scan3A_115 = arith.constant 0 : i32
      %scan3A_116 = arith.constant 16 : i32
      %scan3A_117 = arith.addi %scan3A_115, %scan3A_116 : i32
      %scan3A_118 = arith.constant 1 : i32
      %scan3A_119:4 = scf.for %scan3A_137 = %scan3A_115 to %scan3A_117 step %scan3A_118 iter_args(%scan3A_138 = %broadcast_in_dim3A_114, %scan3A_139 = %broadcast_in_dim3A_114, %scan3A_140 = %broadcast_in_dim3A_114, %scan3A_141 = %broadcast_in_dim3A_114) -> (vector<16xf32>, vector<16xf32>, vector<16xf32>, vector<16xf32>)  : i32 {
        %mul3A_142 = arith.constant 4 : i32
        %mul3A_143 = arith.muli %scan3A_137, %mul3A_142 : i32
        %add3A_144 = arith.constant 0 : i32
        %add3A_145 = arith.addi %mul3A_143, %add3A_144 : i32
        %add3A_146 = vector.broadcast %add3A_145 : i32 to vector<16xi32>
        %add3A_147 = arith.addi %iota3A, %add3A_146 : vector<16xi32>
        %and3A = arith.constant 63 : i32
        %and3A_148 = vector.broadcast %and3A : i32 to vector<16xi32>
        %and3A_149 = arith.andi %add3A_147, %and3A_148 : vector<16xi32>
        %gather3A = tpu.vector_load_idx %arg10[%and3A_149, %add3A_105] : memref<64x128xf32, #tpu.memory_space<vmem>>[vector<16xi32>, vector<16xi32>], vector<16xf32>,
        %gather3A_150 = tpu.vector_load_idx %arg12[%and3A_149, %add3A_105] : memref<64x128xf32, #tpu.memory_space<vmem>>[vector<16xi32>, vector<16xi32>], vector<16xf32>,
        %add3A_151 = arith.addi %mul3A_113, %and3A_149 : vector<16xi32>
        %gather3A_152 = tpu.vector_load_idx %arg7[%add3A_151] : memref<64000xf32, #tpu.memory_space<vmem>>[vector<16xi32>], vector<16xf32>,
        %mul3A_153 = arith.mulf %gather3A, %gather3A_152 : vector<16xf32>
        %mul3A_154 = arith.mulf %mul3A_153, %gather3A_150 : vector<16xf32>
        %add3A_155 = arith.addf %scan3A_138, %mul3A_154 : vector<16xf32>
        %mul3A_156 = arith.constant 4 : i32
        %mul3A_157 = arith.muli %scan3A_137, %mul3A_156 : i32
        %add3A_158 = arith.constant 1 : i32
        %add3A_159 = arith.addi %mul3A_157, %add3A_158 : i32
        %add3A_160 = vector.broadcast %add3A_159 : i32 to vector<16xi32>
        %add3A_161 = arith.addi %iota3A, %add3A_160 : vector<16xi32>
        %and3A_162 = arith.constant 63 : i32
        %and3A_163 = vector.broadcast %and3A_162 : i32 to vector<16xi32>
        %and3A_164 = arith.andi %add3A_161, %and3A_163 : vector<16xi32>
        %gather3A_165 = tpu.vector_load_idx %arg10[%and3A_164, %add3A_105] : memref<64x128xf32, #tpu.memory_space<vmem>>[vector<16xi32>, vector<16xi32>], vector<16xf32>,
        %gather3A_166 = tpu.vector_load_idx %arg12[%and3A_164, %add3A_105] : memref<64x128xf32, #tpu.memory_space<vmem>>[vector<16xi32>, vector<16xi32>], vector<16xf32>,
        %add3A_167 = arith.addi %mul3A_113, %and3A_164 : vector<16xi32>
        %gather3A_168 = tpu.vector_load_idx %arg7[%add3A_167] : memref<64000xf32, #tpu.memory_space<vmem>>[vector<16xi32>], vector<16xf32>,
        %mul3A_169 = arith.mulf %gather3A_165, %gather3A_168 : vector<16xf32>
        %mul3A_170 = arith.mulf %mul3A_169, %gather3A_166 : vector<16xf32>
        %add3A_171 = arith.addf %scan3A_139, %mul3A_170 : vector<16xf32>
        %mul3A_172 = arith.constant 4 : i32
        %mul3A_173 = arith.muli %scan3A_137, %mul3A_172 : i32
        %add3A_174 = arith.constant 2 : i32
        %add3A_175 = arith.addi %mul3A_173, %add3A_174 : i32
        %add3A_176 = vector.broadcast %add3A_175 : i32 to vector<16xi32>
        %add3A_177 = arith.addi %iota3A, %add3A_176 : vector<16xi32>
        %and3A_178 = arith.constant 63 : i32
        %and3A_179 = vector.broadcast %and3A_178 : i32 to vector<16xi32>
        %and3A_180 = arith.andi %add3A_177, %and3A_179 : vector<16xi32>
        %gather3A_181 = tpu.vector_load_idx %arg10[%and3A_180, %add3A_105] : memref<64x128xf32, #tpu.memory_space<vmem>>[vector<16xi32>, vector<16xi32>], vector<16xf32>,
        %gather3A_182 = tpu.vector_load_idx %arg12[%and3A_180, %add3A_105] : memref<64x128xf32, #tpu.memory_space<vmem>>[vector<16xi32>, vector<16xi32>], vector<16xf32>,
        %add3A_183 = arith.addi %mul3A_113, %and3A_180 : vector<16xi32>
        %gather3A_184 = tpu.vector_load_idx %arg7[%add3A_183] : memref<64000xf32, #tpu.memory_space<vmem>>[vector<16xi32>], vector<16xf32>,
        %mul3A_185 = arith.mulf %gather3A_181, %gather3A_184 : vector<16xf32>
        %mul3A_186 = arith.mulf %mul3A_185, %gather3A_182 : vector<16xf32>
        %add3A_187 = arith.addf %scan3A_140, %mul3A_186 : vector<16xf32>
        %mul3A_188 = arith.constant 4 : i32
        %mul3A_189 = arith.muli %scan3A_137, %mul3A_188 : i32
        %add3A_190 = arith.constant 3 : i32
        %add3A_191 = arith.addi %mul3A_189, %add3A_190 : i32
        %add3A_192 = vector.broadcast %add3A_191 : i32 to vector<16xi32>
        %add3A_193 = arith.addi %iota3A, %add3A_192 : vector<16xi32>
        %and3A_194 = arith.constant 63 : i32
        %and3A_195 = vector.broadcast %and3A_194 : i32 to vector<16xi32>
        %and3A_196 = arith.andi %add3A_193, %and3A_195 : vector<16xi32>
        %gather3A_197 = tpu.vector_load_idx %arg10[%and3A_196, %add3A_105] : memref<64x128xf32, #tpu.memory_space<vmem>>[vector<16xi32>, vector<16xi32>], vector<16xf32>,
        %gather3A_198 = tpu.vector_load_idx %arg12[%and3A_196, %add3A_105] : memref<64x128xf32, #tpu.memory_space<vmem>>[vector<16xi32>, vector<16xi32>], vector<16xf32>,
        %add3A_199 = arith.addi %mul3A_113, %and3A_196 : vector<16xi32>
        %gather3A_200 = tpu.vector_load_idx %arg7[%add3A_199] : memref<64000xf32, #tpu.memory_space<vmem>>[vector<16xi32>], vector<16xf32>,
        %mul3A_201 = arith.mulf %gather3A_197, %gather3A_200 : vector<16xf32>
        %mul3A_202 = arith.mulf %mul3A_201, %gather3A_198 : vector<16xf32>
        %add3A_203 = arith.addf %scan3A_141, %mul3A_202 : vector<16xf32>
        scf.yield %add3A_155, %add3A_171, %add3A_187, %add3A_203 : vector<16xf32>, vector<16xf32>, vector<16xf32>, vector<16xf32>
      }
      %scan3A_120 = arith.constant 16 : i32
      %add3A_121 = arith.addf %scan3A_119#0, %scan3A_119#1 : vector<16xf32>
      %add3A_122 = arith.addf %add3A_121, %scan3A_119#2 : vector<16xf32>
      %add3A_123 = arith.addf %add3A_122, %scan3A_119#3 : vector<16xf32>
      %neg3A = arith.constant 0.000000e+00 : f32
      %neg3A_124 = vector.broadcast %neg3A : f32 to vector<16xf32>
      %neg3A_125 = arith.subf %neg3A_124, %add3A_123 : vector<16xf32>
      %exp3A = math.exp %neg3A_125 : vector<16xf32>
      %add3A_126 = arith.constant 1.000000e+00 : f32
      %add3A_127 = vector.broadcast %add3A_126 : f32 to vector<16xf32>
      %add3A_128 = arith.addf %add3A_127, %exp3A : vector<16xf32>
      %div3A = arith.constant 1.000000e+00 : f32
      %div3A_129 = vector.broadcast %div3A : f32 to vector<16xf32>
      %div3A_130 = arith.divf %div3A_129, %add3A_128 : vector<16xf32>
      %mul3A_131 = arith.constant 16 : i32
      %mul3A_132 = arith.muli %scan3A_100, %mul3A_131 : i32
      %add3A_133 = arith.constant 256 : i32
      %add3A_134 = arith.addi %add3A_133, %mul3A_132 : i32
      %swap3A = arith.index_cast %add3A_134 : i32 to index
      %swap3A_135 = tpu.vector_load %arg9[%swap3A] {strides = array<i32>} : memref<512xf32, #tpu.memory_space<vmem>>, vector<16xf32>,
      tpu.vector_store %arg9[%swap3A], %div3A_130 {strides = array<i32>} : memref<512xf32, #tpu.memory_space<vmem>>, vector<16xf32>,
      %scan3A_136 = arith.constant 0 : i32
      scf.yield %scan3A_136 : i32
    }
    %scan3A_84 = arith.constant 8 : i32
    %dma_wait3A_85 = arith.constant 0 : i32
    %dma_wait3A_86 = tpu.memref_slice %arg2[%dma_wait3A_85, %add3A_61] : memref<64x16384xf32, #tpu.memory_space<hbm>> -> memref<64x128xf32, #tpu.memory_space<hbm>>
    %dma_wait3A_87 = arith.constant 0 : i32
    %dma_wait3A_88 = tpu.memref_slice %arg2[%dma_wait3A_87, %add3A_61] : memref<64x16384xf32, #tpu.memory_space<hbm>> -> memref<64x128xf32, #tpu.memory_space<hbm>>
    tpu.wait_dma2 semaphore(%arg15 : memref<!tpu.dma_semaphore, #tpu.memory_space<semaphore_mem>>) src(%dma_wait3A_88 : memref<64x128xf32, #tpu.memory_space<hbm>>) dst(%arg11 : memref<64x128xf32, #tpu.memory_space<vmem>>)
    %dma_wait3A_89 = arith.constant 0 : i32
    %dma_wait3A_90 = tpu.memref_slice %arg4[%dma_wait3A_89, %add3A_61] : memref<64x16384xf32, #tpu.memory_space<hbm>> -> memref<64x128xf32, #tpu.memory_space<hbm>>
    %dma_wait3A_91 = arith.constant 0 : i32
    %dma_wait3A_92 = tpu.memref_slice %arg4[%dma_wait3A_91, %add3A_61] : memref<64x16384xf32, #tpu.memory_space<hbm>> -> memref<64x128xf32, #tpu.memory_space<hbm>>
    tpu.wait_dma2 semaphore(%arg15 : memref<!tpu.dma_semaphore, #tpu.memory_space<semaphore_mem>>) src(%dma_wait3A_92 : memref<64x128xf32, #tpu.memory_space<hbm>>) dst(%arg13 : memref<64x128xf32, #tpu.memory_space<vmem>>)
    %scan3A_93 = arith.constant 0 : i32
    %scan3A_94 = arith.constant 0 : i32
    %scan3A_95 = arith.constant 8 : i32
    %scan3A_96 = arith.addi %scan3A_94, %scan3A_95 : i32
    %scan3A_97 = arith.constant 1 : i32
    %scan3A_98 = scf.for %scan3A_100 = %scan3A_94 to %scan3A_96 step %scan3A_97 iter_args(%scan3A_101 = %scan3A_93) -> (i32)  : i32 {
      %mul3A_102 = arith.constant 16 : i32
      %mul3A_103 = arith.muli %scan3A_100, %mul3A_102 : i32
      %add3A_104 = vector.broadcast %mul3A_103 : i32 to vector<16xi32>
      %add3A_105 = arith.addi %add3A_104, %iota3A : vector<16xi32>
      %mul3A_106 = arith.constant 16 : i32
      %mul3A_107 = arith.muli %scan3A_100, %mul3A_106 : i32
      %add3A_108 = arith.constant 384 : i32
      %add3A_109 = arith.addi %add3A_108, %mul3A_107 : i32
      %get3A = arith.index_cast %add3A_109 : i32 to index
      %get3A_110 = tpu.vector_load %arg8[%get3A] {strides = array<i32>} : memref<512xi32, #tpu.memory_space<vmem>>, vector<16xi32>,
      %mul3A_111 = arith.constant 64 : i32
      %mul3A_112 = vector.broadcast %mul3A_111 : i32 to vector<16xi32>
      %mul3A_113 = arith.muli %get3A_110, %mul3A_112 : vector<16xi32>
      %broadcast_in_dim3A = arith.constant 0.000000e+00 : f32
      %broadcast_in_dim3A_114 = vector.broadcast %broadcast_in_dim3A : f32 to vector<16xf32>
      %scan3A_115 = arith.constant 0 : i32
      %scan3A_116 = arith.constant 16 : i32
      %scan3A_117 = arith.addi %scan3A_115, %scan3A_116 : i32
      %scan3A_118 = arith.constant 1 : i32
      %scan3A_119:4 = scf.for %scan3A_137 = %scan3A_115 to %scan3A_117 step %scan3A_118 iter_args(%scan3A_138 = %broadcast_in_dim3A_114, %scan3A_139 = %broadcast_in_dim3A_114, %scan3A_140 = %broadcast_in_dim3A_114, %scan3A_141 = %broadcast_in_dim3A_114) -> (vector<16xf32>, vector<16xf32>, vector<16xf32>, vector<16xf32>)  : i32 {
        %mul3A_142 = arith.constant 4 : i32
        %mul3A_143 = arith.muli %scan3A_137, %mul3A_142 : i32
        %add3A_144 = arith.constant 0 : i32
        %add3A_145 = arith.addi %mul3A_143, %add3A_144 : i32
        %add3A_146 = vector.broadcast %add3A_145 : i32 to vector<16xi32>
        %add3A_147 = arith.addi %iota3A, %add3A_146 : vector<16xi32>
        %and3A = arith.constant 63 : i32
        %and3A_148 = vector.broadcast %and3A : i32 to vector<16xi32>
        %and3A_149 = arith.andi %add3A_147, %and3A_148 : vector<16xi32>
        %gather3A = tpu.vector_load_idx %arg11[%and3A_149, %add3A_105] : memref<64x128xf32, #tpu.memory_space<vmem>>[vector<16xi32>, vector<16xi32>], vector<16xf32>,
        %gather3A_150 = tpu.vector_load_idx %arg13[%and3A_149, %add3A_105] : memref<64x128xf32, #tpu.memory_space<vmem>>[vector<16xi32>, vector<16xi32>], vector<16xf32>,
        %add3A_151 = arith.addi %mul3A_113, %and3A_149 : vector<16xi32>
        %gather3A_152 = tpu.vector_load_idx %arg7[%add3A_151] : memref<64000xf32, #tpu.memory_space<vmem>>[vector<16xi32>], vector<16xf32>,
        %mul3A_153 = arith.mulf %gather3A, %gather3A_152 : vector<16xf32>
        %mul3A_154 = arith.mulf %mul3A_153, %gather3A_150 : vector<16xf32>
        %add3A_155 = arith.addf %scan3A_138, %mul3A_154 : vector<16xf32>
        %mul3A_156 = arith.constant 4 : i32
        %mul3A_157 = arith.muli %scan3A_137, %mul3A_156 : i32
        %add3A_158 = arith.constant 1 : i32
        %add3A_159 = arith.addi %mul3A_157, %add3A_158 : i32
        %add3A_160 = vector.broadcast %add3A_159 : i32 to vector<16xi32>
        %add3A_161 = arith.addi %iota3A, %add3A_160 : vector<16xi32>
        %and3A_162 = arith.constant 63 : i32
        %and3A_163 = vector.broadcast %and3A_162 : i32 to vector<16xi32>
        %and3A_164 = arith.andi %add3A_161, %and3A_163 : vector<16xi32>
        %gather3A_165 = tpu.vector_load_idx %arg11[%and3A_164, %add3A_105] : memref<64x128xf32, #tpu.memory_space<vmem>>[vector<16xi32>, vector<16xi32>], vector<16xf32>,
        %gather3A_166 = tpu.vector_load_idx %arg13[%and3A_164, %add3A_105] : memref<64x128xf32, #tpu.memory_space<vmem>>[vector<16xi32>, vector<16xi32>], vector<16xf32>,
        %add3A_167 = arith.addi %mul3A_113, %and3A_164 : vector<16xi32>
        %gather3A_168 = tpu.vector_load_idx %arg7[%add3A_167] : memref<64000xf32, #tpu.memory_space<vmem>>[vector<16xi32>], vector<16xf32>,
        %mul3A_169 = arith.mulf %gather3A_165, %gather3A_168 : vector<16xf32>
        %mul3A_170 = arith.mulf %mul3A_169, %gather3A_166 : vector<16xf32>
        %add3A_171 = arith.addf %scan3A_139, %mul3A_170 : vector<16xf32>
        %mul3A_172 = arith.constant 4 : i32
        %mul3A_173 = arith.muli %scan3A_137, %mul3A_172 : i32
        %add3A_174 = arith.constant 2 : i32
        %add3A_175 = arith.addi %mul3A_173, %add3A_174 : i32
        %add3A_176 = vector.broadcast %add3A_175 : i32 to vector<16xi32>
        %add3A_177 = arith.addi %iota3A, %add3A_176 : vector<16xi32>
        %and3A_178 = arith.constant 63 : i32
        %and3A_179 = vector.broadcast %and3A_178 : i32 to vector<16xi32>
        %and3A_180 = arith.andi %add3A_177, %and3A_179 : vector<16xi32>
        %gather3A_181 = tpu.vector_load_idx %arg11[%and3A_180, %add3A_105] : memref<64x128xf32, #tpu.memory_space<vmem>>[vector<16xi32>, vector<16xi32>], vector<16xf32>,
        %gather3A_182 = tpu.vector_load_idx %arg13[%and3A_180, %add3A_105] : memref<64x128xf32, #tpu.memory_space<vmem>>[vector<16xi32>, vector<16xi32>], vector<16xf32>,
        %add3A_183 = arith.addi %mul3A_113, %and3A_180 : vector<16xi32>
        %gather3A_184 = tpu.vector_load_idx %arg7[%add3A_183] : memref<64000xf32, #tpu.memory_space<vmem>>[vector<16xi32>], vector<16xf32>,
        %mul3A_185 = arith.mulf %gather3A_181, %gather3A_184 : vector<16xf32>
        %mul3A_186 = arith.mulf %mul3A_185, %gather3A_182 : vector<16xf32>
        %add3A_187 = arith.addf %scan3A_140, %mul3A_186 : vector<16xf32>
        %mul3A_188 = arith.constant 4 : i32
        %mul3A_189 = arith.muli %scan3A_137, %mul3A_188 : i32
        %add3A_190 = arith.constant 3 : i32
        %add3A_191 = arith.addi %mul3A_189, %add3A_190 : i32
        %add3A_192 = vector.broadcast %add3A_191 : i32 to vector<16xi32>
        %add3A_193 = arith.addi %iota3A, %add3A_192 : vector<16xi32>
        %and3A_194 = arith.constant 63 : i32
        %and3A_195 = vector.broadcast %and3A_194 : i32 to vector<16xi32>
        %and3A_196 = arith.andi %add3A_193, %and3A_195 : vector<16xi32>
        %gather3A_197 = tpu.vector_load_idx %arg11[%and3A_196, %add3A_105] : memref<64x128xf32, #tpu.memory_space<vmem>>[vector<16xi32>, vector<16xi32>], vector<16xf32>,
        %gather3A_198 = tpu.vector_load_idx %arg13[%and3A_196, %add3A_105] : memref<64x128xf32, #tpu.memory_space<vmem>>[vector<16xi32>, vector<16xi32>], vector<16xf32>,
        %add3A_199 = arith.addi %mul3A_113, %and3A_196 : vector<16xi32>
        %gather3A_200 = tpu.vector_load_idx %arg7[%add3A_199] : memref<64000xf32, #tpu.memory_space<vmem>>[vector<16xi32>], vector<16xf32>,
        %mul3A_201 = arith.mulf %gather3A_197, %gather3A_200 : vector<16xf32>
        %mul3A_202 = arith.mulf %mul3A_201, %gather3A_198 : vector<16xf32>
        %add3A_203 = arith.addf %scan3A_141, %mul3A_202 : vector<16xf32>
        scf.yield %add3A_155, %add3A_171, %add3A_187, %add3A_203 : vector<16xf32>, vector<16xf32>, vector<16xf32>, vector<16xf32>
      }
      %scan3A_120 = arith.constant 16 : i32
      %add3A_121 = arith.addf %scan3A_119#0, %scan3A_119#1 : vector<16xf32>
      %add3A_122 = arith.addf %add3A_121, %scan3A_119#2 : vector<16xf32>
      %add3A_123 = arith.addf %add3A_122, %scan3A_119#3 : vector<16xf32>
      %neg3A = arith.constant 0.000000e+00 : f32
      %neg3A_124 = vector.broadcast %neg3A : f32 to vector<16xf32>
      %neg3A_125 = arith.subf %neg3A_124, %add3A_123 : vector<16xf32>
      %exp3A = math.exp %neg3A_125 : vector<16xf32>
      %add3A_126 = arith.constant 1.000000e+00 : f32
      %add3A_127 = vector.broadcast %add3A_126 : f32 to vector<16xf32>
      %add3A_128 = arith.addf %add3A_127, %exp3A : vector<16xf32>
      %div3A = arith.constant 1.000000e+00 : f32
      %div3A_129 = vector.broadcast %div3A : f32 to vector<16xf32>
      %div3A_130 = arith.divf %div3A_129, %add3A_128 : vector<16xf32>
      %mul3A_131 = arith.constant 16 : i32
      %mul3A_132 = arith.muli %scan3A_100, %mul3A_131 : i32
      %add3A_133 = arith.constant 384 : i32
      %add3A_134 = arith.addi %add3A_133, %mul3A_132 : i32
      %swap3A = arith.index_cast %add3A_134 : i32 to index
      %swap3A_135 = tpu.vector_load %arg9[%swap3A] {strides = array<i32>} : memref<512xf32, #tpu.memory_space<vmem>>, vector<16xf32>,
      tpu.vector_store %arg9[%swap3A], %div3A_130 {strides = array<i32>} : memref<512xf32, #tpu.memory_space<vmem>>, vector<16xf32>,
      %scan3A_136 = arith.constant 0 : i32
      scf.yield %scan3A_136 : i32
    }
    %scan3A_99 = arith.constant 8 : i32
    "tpu.region"() ({
      %run_scoped3A = tpu.sem_alloc : memref<!tpu.dma_semaphore, #tpu.memory_space<semaphore_mem>>
      %dma_start3A_100 = tpu.memref_slice %arg6[%mul3A_2] : memref<16384xf32, #tpu.memory_space<hbm>> -> memref<512xf32, #tpu.memory_space<hbm>>
      %dma_start3A_101 = tpu.memref_slice %arg6[%mul3A_2] : memref<16384xf32, #tpu.memory_space<hbm>> -> memref<512xf32, #tpu.memory_space<hbm>>
      tpu.enqueue_dma source(%arg9 : memref<512xf32, #tpu.memory_space<vmem>>) target(%dma_start3A_101 : memref<512xf32, #tpu.memory_space<hbm>>) target_semaphore(%run_scoped3A : memref<!tpu.dma_semaphore, #tpu.memory_space<semaphore_mem>>)
      %dma_wait3A_102 = tpu.memref_slice %arg6[%mul3A_2] : memref<16384xf32, #tpu.memory_space<hbm>> -> memref<512xf32, #tpu.memory_space<hbm>>
      %dma_wait3A_103 = tpu.memref_slice %arg6[%mul3A_2] : memref<16384xf32, #tpu.memory_space<hbm>> -> memref<512xf32, #tpu.memory_space<hbm>>
      tpu.wait_dma2 semaphore(%run_scoped3A : memref<!tpu.dma_semaphore, #tpu.memory_space<semaphore_mem>>) src(%arg9 : memref<512xf32, #tpu.memory_space<vmem>>) dst(%dma_wait3A_103 : memref<512xf32, #tpu.memory_space<hbm>>)
      tpu.yield
    }) : () -> ()
    return
  }
}

</mosaic_0001>

<sc_bundles>
// kernel: _dist_mult_sc.3.cloned.1.call-start
scs
__scs_entry_jumppad:
0x0: {  	(pc) =	sbr.rel $0x88, $3  }
0x1: {  	(tag) =	ssettag $0x0;
	lr =	simm.s32 $0x1  }
0x2: {  	[smem:$0x3F9D] =	sst lr;
	_ =	strace $0xD0000000  }
0x3: {  	_ = 	snop  }
0x4: {  	_ = 	snop  }
0x5: {  	_ = 	snop  }
0x6: {  	_ = 	snop  }
0x7: {  	_ = 	snop  }
__scs_overlays_trampoline_lowered:
0x8: {  	[smem:$0x3FAC] =	sst s0  }
0x9: {  	[smem:$0x3FAD] =	sst s1  }
0xa: {  	[smem:$0x3FAE] =	sst s2  }
0xb: {  	[smem:$0x3FAF] =	sst s3  }
0xc: {  	[smem:$0x3FB0] =	sst s4  }
0xd: {  	[smem:$0x3FB1] =	sst s5  }
0xe: {  	[smem:$0x3FB2] =	sst s6  }
0xf: {  	[smem:$0x3FB3] =	sst s7  }
0x10: {  	[smem:$0x3FB4] =	sst s8  }
0x11: {  	[smem:$0x3FB5] =	sst s9;
	s0 =	simm.s32 @!p0 $0x0  }
0x12: {  	s1 =	sld [smem:$0x3F9B];
	s0 =	simm.s32 @p0 $0x1  }
0x13: {  	[smem:$0x3FB6] =	sst s0;
	s0 =	simm.s32 @!p1 $0x0  }
0x14: {  	s2 =	sld [smem:$0x3F9A];
	s0 =	simm.s32 @p1 $0x1  }
0x15: {  	[smem:$0x3FB7] =	sst s0;
	s0 =	simm.s32 @!p2 $0x0  }
0x16: {  	s3 =	sld [smem:$0x3FDB];
	s0 =	simm.s32 @p2 $0x1  }
0x17: {  	s4 =	simm.s32 $0x1BF5;
	[smem:$0x3FB9] =	sst s0  }
0x18: {  	s0 =	sld [smem:$0x3F9C];
	_ =	swait.ge [sflag:s4], $0x0  }
0x19: {  	s7 =	sld [smem:$0x3F9D]  }
0x1a: {  	s8 =	sadd.s32 $0xFFFFE003, lr  }
0x1b: {  	s9 =	sadd.s32 $0xFFFFFEF7, lr;
	s5 =	simm.s32 $0xFFFFFFFF;
	p2 =	slt.u32 s8, $0xFFFFF086  }
0x1c: {  	p1 =	slt.u32 s9, $0xF7A;
	s5 =	simm.s32 @!p2 $0x0  }
0x1d: {  	s5 =	simm.s32 @p1 $0x1;
	p0 =	seq.s32 s7, s2  }
0x1e: {  	s7 =	smul.u32 @!p0 $0xF7A, s2;
	p2 =	seq.s32 @!p0 s5, $0x0  }
0x1f: {  	s9 =	smul.u32 $0xF7A, s1;
	s8 =	simm.s32 @!p0 $0x1BF5;
	p2 =	por !p2, p0  }
0x20: {  	[sflag:s8] =	ssyncset.s32 @!p0 $0xFFFFF086;
	s6 =	sadd.s32 @!p0 s3, s7;
	s7 =	simm.s32 @!p0 $0x108  }
0x21: {  	s3 =	sadd.s32 s3, s9;
	s6 =	sadd.s32 @!p0 $0x88, s6;
	s7 =	simm.s32 @p2 $0x1082  }
0x22: {  	[simem:s7], [sflag:s8] =	dma.local @!p0 [hbm:s6], $0xF7A  }
0x23: {  	s9 =	sor.u32 $0xD0000000, s2;
	s6 =	simm.s32 $0x108;
	_ =	swait.ge @!p0 [sflag:s8], $0x0  }
0x24: {  	s3 =	sadd.s32 $0x88, s3;
	s6 =	simm.s32 @!p1 $0x1082;
	[sflag:s4] =	ssyncset.s32 $0xFFFFF086  }
0x25: {  	[simem:s6], [sflag:s4] =	dma.local [hbm:s3], $0xF7A  }
0x26: {  	[smem:$0x3F9D] =	sst s1;
	(tag) =	ssettag s2;
	_ =	strace s9  }
0x27: {  	s1 =	sld [smem:$0x3FAD]  }
0x28: {  	s2 =	sld [smem:$0x3FAE]  }
0x29: {  	s4 =	sld [smem:$0x3FB0]  }
0x2a: {  	p0 =	seq.s32 s5, $0x0;
	s5 =	sld [smem:$0x3FB1]  }
0x2b: {  	s6 =	sld [smem:$0x3FB2]  }
0x2c: {  	s7 =	sld [smem:$0x3FB3]  }
0x2d: {  	s3 =	simm.s32 $0x108;
	s8 =	sld [smem:$0x3FB4]  }
0x2e: {  	s3 =	simm.s32 @!p0 $0x1082;
	s9 =	sld [smem:$0x3FB5]  }
0x2f: {  	lr =	sadd.s32 s0, s3;
	s0 =	sld [smem:$0x3FAC]  }
0x30: {  	s3 =	sld [smem:$0x3FAF]  }
0x31: {  	[smem:$0x3FB8] =	sst s10  }
0x32: {  	s10 =	sld [smem:$0x3FB6];
	_ =	sdelay $0x3  }
0x33: {  	p0 =	seq.s32 s10, $0x1;
	s10 =	sld [smem:$0x3FB8];
	_ =	sdelay $0x3  }
0x34: {  	[smem:$0x3FB8] =	sst s10  }
0x35: {  	s10 =	sld [smem:$0x3FB7];
	_ =	sdelay $0x3  }
0x36: {  	p1 =	seq.s32 s10, $0x1;
	s10 =	sld [smem:$0x3FB8];
	_ =	sdelay $0x3  }
0x37: {  	[smem:$0x3FB8] =	sst s10  }
0x38: {  	s10 =	sld [smem:$0x3FB9]  }
0x39: {  	_ = 	snop;
	(pc) =	sbr.ind lr, $3  }
0x3a: {  	_ = 	snop  }
0x3b: {  	_ = 	snop  }
0x3c: {  	p2 =	seq.s32 s10, $0x1;
	s10 =	sld [smem:$0x3FB8]  }
0x3d: {  	_ =	shalt  }
0x3e: {  	_ =	shalt  }
0x3f: {  	_ =	shalt  }
0x40: {  	_ =	shalt  }
0x41: {  	_ =	shalt  }
0x42: {  	_ =	shalt  }
0x43: {  	_ =	shalt  }
0x44: {  	_ =	shalt  }
0x45: {  	_ =	shalt  }
0x46: {  	_ =	shalt  }
0x47: {  	_ =	shalt  }
0x48: {  	_ =	shalt  }
0x49: {  	_ =	shalt  }
0x4a: {  	_ =	shalt  }
0x4b: {  	_ =	shalt  }
0x4c: {  	_ =	shalt  }
0x4d: {  	_ =	shalt  }
0x4e: {  	_ =	shalt  }
0x4f: {  	_ =	shalt  }
0x50: {  	_ =	shalt  }
0x51: {  	_ =	shalt  }
0x52: {  	_ =	shalt  }
0x53: {  	_ =	shalt  }
0x54: {  	_ =	shalt  }
0x55: {  	_ =	shalt  }
0x56: {  	_ =	shalt  }
0x57: {  	_ =	shalt  }
0x58: {  	_ =	shalt  }
0x59: {  	_ =	shalt  }
0x5a: {  	_ =	shalt  }
0x5b: {  	_ =	shalt  }
0x5c: {  	_ =	shalt  }
0x5d: {  	_ =	shalt  }
0x5e: {  	_ =	shalt  }
0x5f: {  	_ =	shalt  }
0x60: {  	_ =	shalt  }
0x61: {  	_ =	shalt  }
0x62: {  	_ =	shalt  }
0x63: {  	_ =	shalt  }
0x64: {  	_ =	shalt  }
0x65: {  	_ =	shalt  }
0x66: {  	_ =	shalt  }
0x67: {  	_ =	shalt  }
0x68: {  	_ =	shalt  }
0x69: {  	_ =	shalt  }
0x6a: {  	_ =	shalt  }
0x6b: {  	_ =	shalt  }
0x6c: {  	_ =	shalt  }
0x6d: {  	_ =	shalt  }
0x6e: {  	_ =	shalt  }
0x6f: {  	_ =	shalt  }
0x70: {  	_ =	shalt  }
0x71: {  	_ =	shalt  }
0x72: {  	_ =	shalt  }
0x73: {  	_ =	shalt  }
0x74: {  	_ =	shalt  }
0x75: {  	_ =	shalt  }
0x76: {  	_ =	shalt  }
0x77: {  	_ =	shalt  }
0x78: {  	_ =	shalt  }
0x79: {  	_ =	shalt  }
0x7a: {  	_ =	shalt  }
0x7b: {  	_ =	shalt  }
0x7c: {  	_ =	shalt  }
0x7d: {  	_ =	shalt  }
0x7e: {  	_ =	shalt  }
0x7f: {  	_ =	shalt  }
0x80: {  	_ =	shalt  }
0x81: {  	_ =	shalt  }
0x82: {  	_ =	shalt  }
0x83: {  	_ =	shalt  }
0x84: {  	_ =	shalt  }
0x85: {  	_ =	shalt  }
0x86: {  	_ =	shalt  }
0x87: {  	_ =	shalt  }
.Lfunc_end0:
.L_simem_size_0:
called_computation_lowered:
.L_overlay_start_0:
0x88: {  	s2 =	sld [smem:$0x3FD9]  }
0x89: {  	s3 =	sld [smem:$0x3FFE];
	_ =	sdelay $0x1  }
0x8a: {  	s1 =	srdreg.scid  }
0x8b: {  	s0 =	sand.u32 $0x1, s1  }
0x8c: {  	s17 =	sshll.u32 s0, $0xA;
	s2 =	sadd.s32 s3, s2  }
0x8d: {  	s2 =	sadd.s32 s2, s17  }
0x8e: {  	[smem:$0x3FC4] =	sst s2  }
0x8f: {  	_ = 	snop  }
0x90: {  	s2 =	sld [smem:$0x3FC9]  }
0x91: {  	s18 =	sld [smem:$0x3FC8]  }
0x92: {  	s4 =	sld [smem:$0x3FC7]  }
0x93: {  	s5 =	sld [smem:$0x3FD0];
	(tm) =	ssettm $0x1  }
0x94: {  	s6 =	sld [smem:$0x3FFB];
	_ =	sdelay $0x3  }
0x95: {  	_ =	strace s6  }
0x96: {  	s6 =	sld [smem:$0x3FFC];
	_ =	sdelay $0x3  }
0x97: {  	_ =	strace s6  }
0x98: {  	s6 =	sld [smem:$0x3FFD];
	_ =	sdelay $0x3  }
0x99: {  	_ =	strace s6  }
0x9a: {  	_ =	strace $0x8FFFFFFF  }
0x9b: {  	s19 =	sld [smem:$0x3FDB];
	_ =	sdelay $0x1  }
0x9c: {  	s7 =	simm.s32 $_scs_section_size  }
0x9d: {  	s8 =	simm.s32 $_size__tile_overlayer_lowered;
	s9 =	simm.s32 $_tile_overlayer_lowered  }
0x9e: {  	s22 =	simm.s32 $0x1BFF;
	s21 =	sshll.u32 s9, $0x1;
	s6 =	sadd.s32 s7, s19  }
0x9f: {  	s10 =	simm.s32 $0x0;
	s20 =	sshll.u32 s8, $0x1;
	s8 =	sadd.s32 s21, s6  }
0xa0: {  	[timem:s10], [sflag:s22] =	dma.local [hbm:s8], s20  }
0xa1: {  	_ =	swait.ge [sflag:s22], s20  }
0xa2: {  	s7 =	ssub.s32 $0x0, s20;
	[sflag:s22] =	ssyncset.done $0x0  }
0xa3: {  	[sflag:s22] =	ssyncadd.s32 s7;
	_ =	sdelay $0x1  }
0xa4: {  	s23 =	simm.s32 $0x1B8B  }
0xa5: {  	_ =	swait.ge [sflag:s23], $0x1  }
0xa6: {  	[sflag:s23] =	ssyncset.done $0x0  }
0xa7: {  	s25 =	simm.s32 $0x1B8E;
	s24 =	sld [smem:$0x3FFE];
	[sflag:s23] =	ssyncadd.s32 $0xFFFFFFFF  }
0xa8: {  	s26 =	simm.s32 $execute0_lowered;
	[smem:$0x3FD2] =	sst s25  }
0xa9: {  	s8 =	sshll.u32 s26, $0x1;
	_ =	strace $0x80000046;
	[dreg:$0x1] =	wrdreg $0xFFFFFFFF  }
0xaa: {  	s28 =	simm.s32 $_size_execute0_lowered;
	s6 =	sadd.s32 s6, s8;
	[dreg:$0x0] =	wrdreg $0x0  }
0xab: {  	s8 =	sshll.u32 s28, $0x1;
	[dreg:$0x2] =	wrdreg s6  }
0xac: {  	[dreg:$0x3] =	wrdreg s8  }
0xad: {  	[dreg:$0x4] =	wrdreg $0xC0  }
0xae: {  	_ =	task [dreg:s10], $0x5FFFF  }
0xaf: {  	[dreg:$0x1] =	wrdreg $0xFFFFFFFF  }
0xb0: {  	[dreg:$0x0] =	wrdreg $0x60  }
0xb1: {  	[dreg:$0x2] =	wrdreg s2  }
0xb2: {  	[dreg:$0x3] =	wrdreg s18  }
0xb3: {  	[dreg:$0x4] =	wrdreg s4  }
0xb4: {  	[dreg:$0x5] =	wrdreg s24  }
0xb5: {  	[dreg:$0x6] =	wrdreg s5  }
0xb6: {  	[dreg:$0x7] =	wrdreg $0x9  }
0xb7: {  	_ =	task.clear_ibuf [dreg:s10], $0x8FFFF;
	_ =	strace $0x90000046  }
0xb8: {  	s29 =	simm.s32 $0x9;
	_ =	strace $0x80000048  }
0xb9: {  	_ =	swait.ge [sflag:s29], $0x1  }
0xba: {  	[sflag:s29] =	ssyncadd.s32 $0xFFFFFFFF  }
0xbb: {  	_ =	strace $0x90000048  }
0xbc: {  	_ =	sfence  }
0xbd: {  	s30 =	sld [smem:$0x0];
	_ =	sdelay $0x2  }
0xbe: {  	s31 =	sshll.u32 s1, $0xD;
	s1 =	sshrl.u32 s1, $0x2  }
0xbf: {  	s3 =	sand.u32 $0x4000, s31;
	s1 =	sadd.s32 s1, s30  }
0xc0: {  	s0 =	sor.u32 s3, s0;
	s1 =	sshll.u32 s1, $0x11  }
0xc1: {  	s0 =	sor.u32 s1, s0  }
0xc2: {  	s0 =	sadd.s32 $0x8F2B, s0  }
0xc3: {  	[sflag:s0] =	ssyncadd.remote.s32 $0x1  }
0xc4: {  	_ =	sfence.sel $0xFFFF  }
0xc5: {  	[dreg:$0x0] =	wrdreg $0xFFFFFFFF;
	(pc) =	sbr.abs _section_cstart, $3  }
0xc6: {  	[dreg:$0x1] =	wrdreg $0xFFFFFFFF  }
0xc7: {  	_ =	task.clear_ibuf [dreg:s10], $0x2FFFF;
	_ =	strace $0x9FFFFFFF  }
0xc8: {  	(tm) =	ssettm $0x7FFFFFFF  }
0xc9: {  	_ =	shalt  }
tec
execute0_lowered:
.L_overlay_start_1:
0x0: {  	(tag) =	ssettag $0x1  }
0x1: {  	s0 =	rddreg [dreg:$0x0]  }
0x2: {  	s4 =	rddreg [dreg:$0x1]  }
0x3: {  	s12 =	rddreg [dreg:$0x2]  }
0x4: {  	s3 =	rddreg [dreg:$0x3]  }
0x5: {  	s13 =	rddreg [dreg:$0x4]  }
0x6: {  	s2 =	simm.s32 $0x0;
	s5 =	srdreg.scid;
	s1 =	stileid.u32  }
0x7: {  	s17 =	simm.s32 $0x400;
	s18 =	simm.s32 $0x20000;
	s19 =	simm.s32 $0xFE00  }
0x8: {  	s20 =	simm.s32 $0x13E00;
	s21 =	simm.s32 $0x3;
	s22 =	simm.s32 $0x11E00  }
0x9: {  	s23 =	simm.s32 $0x15E00;
	s24 =	simm.s32 $0x1;
	s25 =	simm.s32 $0x2  }
0xa: {  	s28 =	simm.s32 $0x0;
	[smem:$0x7FF] =	sst s2;
	s5 =	sand.u32 $0x1, s5  }
0xb: {  	s7 =	sshll.u32 s1, $0xA;
	s6 =	ssub.s32 $0x2, s5;
	s5 =	sshll.u32 s5, $0x9  }
0xc: {  	s3 =	sadd.s32 $0x400, s3;
	s8 =	sshrl.u32 s6, $0x1;
	s10 =	sor.u32 s5, s7  }
0xd: {  	_ =	strace $0x80000047;
	s14 =	ssub.s32 s6, s8;
	s15 =	sshrl.u32 s10, $0x3  }
0xe: {  	s5 =	sadd.s32 s0, s10;
	s31 =	sor.u32 $0x80, s10;
	s6 =	sadd.s32 s12, s10  }
0xf: {  	s11 =	sor.u32 $0x100, s10;
	s16 =	sor.u32 $0x180, s10;
	s4 =	sadd.s32 s4, s15  }
0x10: {  	s7 =	sadd.s32 s0, s31;
	s8 =	sadd.s32 s12, s31;
	s9 =	sadd.s32 s0, s11  }
0x11: {  	s10 =	sadd.s32 s12, s11;
	s11 =	sadd.s32 s0, s16;
	s12 =	sadd.s32 s12, s16  }
0x12: {  	v0 =	vlaneseq.u32;
	s13 =	sadd.s32 s13, s15;
	s14 =	smax.u32 s14, $0x1;
	s16 =	simm.s32 $0x4  }
.LBB2_1:
0x13: {  	[tilespmem:s2], [sflag:$0x3] =	stream.linear.gather [hbm4b:s3+s2], $0xFA00, $0x38;
	[tilespmem:$0x17E00] =	vst v63  }
0x14: {  	s0 =	simm.s32 $0xFA00  }
0x15: {  	[tilespmem:s0], [sflag:$0x4] =	stream.linear.gather [hbm4b:s4+s2], $0x200, $0x38;
	[tilespmem:$0x17E00] =	vst v63  }
0x16: {  	_ =	swait.ge [sflag:s16], $0x200  }
0x17: {  	[sflag:s16] =	ssyncset.done $0x0  }
0x18: {  	[sflag:s16] =	ssyncadd.s32 $0xFFFFFE00  }
0x19: {  	[tilespmem:s19], [sflag:$0x1] =	stream.strided.gather [hbm4b:s5+s17], $0x2000, s18, s17, $0x38;
	[tilespmem:$0x17E00] =	vst v63  }
0x1a: {  	_ = 	snop  }
0x1b: {  	[tilespmem:s20], [sflag:$0x1] =	stream.strided.gather [hbm4b:s6+s17], $0x2000, s18, s17, $0x38;
	[tilespmem:$0x17E00] =	vst v63  }
0x1c: {  	_ =	swait.ge [sflag:s21], $0xFA00  }
0x1d: {  	[sflag:s21] =	ssyncset.done $0x0  }
0x1e: {  	[sflag:s21] =	ssyncadd.s32 $0xFFFF0600  }
0x1f: {  	[tilespmem:s22], [sflag:$0x2] =	stream.strided.gather [hbm4b:s7+s17], $0x2000, s18, s17, $0x38;
	[tilespmem:$0x17E00] =	vst v63  }
0x20: {  	_ = 	snop  }
0x21: {  	[tilespmem:s23], [sflag:$0x2] =	stream.strided.gather [hbm4b:s8+s17], $0x2000, s18, s17, $0x38;
	[tilespmem:$0x17E00] =	vst v63  }
0x22: {  	_ =	swait.ge [sflag:s24], $0x2000  }
0x23: {  	[sflag:s24] =	ssyncset.done $0x0  }
0x24: {  	[sflag:s24] =	ssyncadd.s32 $0xFFFFE000  }
0x25: {  	_ =	swait.ge [sflag:s24], $0x2000  }
0x26: {  	[sflag:s24] =	ssyncset.done $0x0  }
0x27: {  	s29 =	simm.s32 $0x0;
	[sflag:s24] =	ssyncadd.s32 $0xFFFFE000  }
.LBB2_2:
0x28: {  	s0 =	simm.s32 $0x1  }
0x29: {  	s31 =	simm.s32 $0x2;
	v1 =	vadd.s32 s0, v0  }
0x2a: {  	s30 =	sshll.u32 s29, $0x4;
	v3 =	vadd.s32 s31, v0;
	v4 =	vand.u32 $0x3F, v1  }
0x2b: {  	s26 =	simm.s32 $0x3;
	v2 =	vld [tilespmem:s30+$0xFA00];
	v1 =	vor.u32 s30, v0;
	v3 =	vand.u32 $0x3F, v3;
	v5 =	vshll.u32 v4, $0x7  }
0x2c: {  	v7 =	vadd.s32 s26, v0;
	v6 =	vshll.u32 v3, $0x7;
	v5 =	vadd.s32 v1, v5  }
0x2d: {  	s1 =	simm.s32 $0x0;
	v7 =	vand.u32 $0x3F, v7;
	v6 =	vadd.s32 v1, v6  }
0x2e: {  	v10 =	vadd.s32 s1, v0;
	v9 =	vshll.u32 v7, $0x7  }
0x2f: {  	v11 =	vadd.s32 v1, v9;
	v9 =	vand.u32 $0x3F, v10  }
0x30: {  	v12 =	vshll.u32 v9, $0x7;
	v2 =	vshll.u32 v2, $0x6  }
0x31: {  	v12 =	vadd.s32 v1, v12;
	v8 =	vor.u32 v2, v3;
	v3 =	vld.idx.msk [tilespmem:v5+s20+$0x0], $0xffff  }
0x32: {  	v10 =	vld.idx.msk [tilespmem:v6+s20+$0x0], $0xffff  }
0x33: {  	v4 =	vor.u32 v2, v4;
	v6 =	vld.idx.msk [tilespmem:v6+s19+$0x0], $0xffff  }
0x34: {  	s15 =	simm.s32 $0x5;
	v13 =	vor.u32 v2, v9;
	v19 =	vld.idx.msk [tilespmem:v5+s19+$0x0], $0xffff  }
0x35: {  	s31 =	simm.s32 $0x6;
	v9 =	vadd.s32 s15, v0;
	v5 =	vld.idx.msk [tilespmem:v11+s19+$0x0], $0xffff  }
0x36: {  	v14 =	vadd.s32 s31, v0;
	v15 =	vand.u32 $0x3F, v9;
	v26 =	vld.idx.msk [tilespmem:v12+s19+$0x0], $0xffff  }
0x37: {  	v14 =	vand.u32 $0x3F, v14;
	v7 =	vor.u32 v2, v7;
	v9 =	vshll.u32 v15, $0x7;
	v8 =	vld.idx.msk [tilespmem:v8+s2+$0x0], $0xffff  }
0x38: {  	s26 =	simm.s32 $0x4;
	v16 =	vshll.u32 v14, $0x7;
	v9 =	vadd.s32 v1, v9;
	v22 =	vld.idx.msk [tilespmem:v4+s2+$0x0], $0xffff  }
0x39: {  	s31 =	simm.s32 $0x7;
	v25 =	vadd.s32 v1, v16;
	v16 =	vadd.s32 s26, v0;
	v17 =	vor.u32 v2, v14;
	v24 =	vld.idx.msk [tilespmem:v13+s2+$0x0], $0xffff  }
0x3a: {  	v14 =	vadd.s32 s31, v0;
	v18 =	vor.u32 v2, v15;
	v4 =	vimm.f32 $0.0e+00;
	v13 =	vld.idx.msk [tilespmem:v12+s20+$0x0], $0xffff  }
0x3b: {  	v12 =	vand.u32 $0x3F, v16;
	v16 =	vand.u32 $0x3F, v14;
	v14 =	vld.idx.msk [tilespmem:v11+s20+$0x0], $0xffff;
	v11 =	vimm.f32 $0.0e+00  }
0x3c: {  	v20 =	vld.idx.msk [tilespmem:v7+s2+$0x0], $0xffff;
	v7 =	vshll.u32 v12, $0x7;
	v6 =	vmul.f32 v8, v6;
	v8 =	vshll.u32 v16, $0x7  }
0x3d: {  	v21 =	vor.u32 v2, v12;
	v15 =	vadd.s32 v1, v7;
	v12 =	vld.idx.msk [tilespmem:v9+s20+$0x0], $0xffff;
	v8 =	vadd.s32 v1, v8  }
0x3e: {  	v7 =	vimm.f32 $0.0e+00;
	v22 =	vmul.f32 v22, v19;
	v19 =	vld.idx.msk [tilespmem:v25+s19+$0x0], $0xffff;
	v23 =	vmul.f32 v6, v10  }
0x3f: {  	s31 =	simm.s32 $0x8;
	v16 =	vor.u32 v2, v16;
	v24 =	vmul.f32 v24, v26;
	v6 =	vld.idx.msk [tilespmem:v25+s20+$0x0], $0xffff;
	v10 =	vimm.f32 $0.0e+00  }
.LBB2_3:
0x40: {  	s0 =	sadd.s32 $0x1, s31;
	s1 =	sadd.s32 $0x2, s31;
	s15 =	sadd.s32 $0x3, s31;
	v25 =	vld.idx.msk [tilespmem:v17+s2+$0x0], $0xffff;
	v4 =	vadd.f32 v23, v4  }
0x41: {  	p0 =	sne.s32 s31, $0x3C;
	v17 =	vadd.s32 s0, v0;
	v23 =	vadd.s32 s1, v0;
	v26 =	vld.idx.msk [tilespmem:v9+s19+$0x0], $0xffff;
	v9 =	vmul.f32 v20, v5;
	s0 =	smov.u32 s31;
	s31 =	sadd.s32 $0x4, s31  }
0x42: {  	v13 =	vmul.f32 v24, v13;
	v20 =	vand.u32 $0x3F, v17;
	v17 =	vand.u32 $0x3F, v23;
	v5 =	vld.idx.msk [tilespmem:v8+s19+$0x0], $0xffff  }
0x43: {  	v23 =	vshll.u32 v20, $0x7;
	v24 =	vshll.u32 v17, $0x7;
	v27 =	vld.idx.msk [tilespmem:v18+s2+$0x0], $0xffff;
	v14 =	vmul.f32 v9, v14  }
0x44: {  	v9 =	vadd.s32 v1, v23;
	v24 =	vadd.s32 v1, v24;
	v28 =	vld.idx.msk [tilespmem:v21+s2+$0x0], $0xffff;
	v21 =	vmul.f32 v22, v3  }
0x45: {  	v17 =	vor.u32 v2, v17;
	v11 =	vadd.f32 v13, v11;
	v22 =	vadd.s32 s15, v0;
	v3 =	vmovc v12;
	v29 =	vld.idx.msk [tilespmem:v15+s19+$0x0], $0xffff  }
0x46: {  	v18 =	vor.u32 v2, v20;
	v12 =	vadd.s32 s0, v0;
	v7 =	vadd.f32 v14, v7;
	v13 =	vld.idx.msk [tilespmem:v15+s20+$0x0], $0xffff  }
.Ltmp0:
0x47: {  	v12 =	vand.u32 $0x3F, v12;
	v22 =	vand.u32 $0x3F, v22;
	v19 =	vmul.f32 v25, v19;
	v20 =	vld.idx.msk [tilespmem:v16+s2+$0x0], $0xffff;
	(pc) =	sbr.rel @p0 .LBB2_3-.Ltmp0, $4  }
0x48: {  	v15 =	vshll.u32 v12, $0x7;
	v10 =	vadd.f32 v21, v10;
	v16 =	vshll.u32 v22, $0x7;
	v14 =	vld.idx.msk [tilespmem:v8+s20+$0x0], $0xffff  }
0x49: {  	v21 =	vor.u32 v2, v12;
	v15 =	vadd.s32 v1, v15;
	v8 =	vadd.s32 v1, v16;
	v12 =	vld.idx.msk [tilespmem:v9+s20+$0x0], $0xffff  }
0x4a: {  	v23 =	vmul.f32 v19, v6;
	v16 =	vor.u32 v2, v22;
	v6 =	vld.idx.msk [tilespmem:v24+s20+$0x0], $0xffff  }
0x4b: {  	v22 =	vmul.f32 v27, v26;
	v19 =	vld.idx.msk [tilespmem:v24+s19+$0x0], $0xffff;
	v24 =	vmul.f32 v28, v29  }
0x4c: {  	_ =	sdelay $0x3  }
0x4d: {  	v1 =	vld.idx.msk [tilespmem:v9+s19+$0x0], $0xffff  }
0x4e: {  	v2 =	vld.idx.msk [tilespmem:v18+s2+$0x0], $0xffff  }
0x4f: {  	v55 =	vld.idx.msk [tilespmem:v21+s2+$0x0], $0xffff  }
0x50: {  	v56 =	vld.idx.msk [tilespmem:v15+s19+$0x0], $0xffff  }
0x51: {  	v17 =	vld.idx.msk [tilespmem:v17+s2+$0x0], $0xffff  }
0x52: {  	v57 =	vld.idx.msk [tilespmem:v15+s20+$0x0], $0xffff  }
0x53: {  	v58 =	vld.idx.msk [tilespmem:v8+s19+$0x0], $0xffff  }
0x54: {  	v16 =	vld.idx.msk [tilespmem:v16+s2+$0x0], $0xffff  }
0x55: {  	v13 =	vmul.f32 v24, v13;
	v3 =	vmul.f32 v22, v3  }
0x56: {  	v9 =	vmul.f32 v55, v56;
	v1 =	vmul.f32 v2, v1  }
0x57: {  	v61 =	vld.idx.msk [tilespmem:v8+s20+$0x0], $0xffff;
	v59 =	vadd.f32 v13, v11;
	v2 =	vmul.f32 v20, v5;
	v60 =	vmul.f32 v17, v19  }
0x58: {  	v3 =	vadd.f32 v3, v10;
	v9 =	vmul.f32 v9, v57;
	v1 =	vmul.f32 v1, v12  }
0x59: {  	v4 =	vadd.f32 v23, v4;
	v62 =	vmul.f32 v16, v58;
	v2 =	vmul.f32 v2, v14  }
0x5a: {  	v6 =	vmul.f32 v60, v6;
	v5 =	vadd.f32 v9, v59;
	v1 =	vadd.f32 v1, v3  }
0x5b: {  	v2 =	vadd.f32 v2, v7  }
0x5c: {  	v63 =	vmul.f32 v62, v61;
	v3 =	vadd.f32 v6, v4;
	v1 =	vadd.f32 v1, v5;
	_ =	sdelay $0x1  }
0x5d: {  	v2 =	vadd.f32 v63, v2;
	v1 =	vadd.f32 v3, v1;
	_ =	sdelay $0x1  }
0x5e: {  	v1 =	vadd.f32 v2, v1;
	_ =	sdelay $0x1  }
0x5f: {  	v1 =	vsub.f32 $0.0e+00, v1;
	_ =	sdelay $0x1  }
0x60: {  	v1 =	vmul.f32 $1.442695020e+00, v1;
	_ =	sdelay $0x1  }
0x61: {  	(erf) = vpow2.f32 v1;
	_ =	sdelay $0x8  }
0x62: {  	v1 =	vpop (erf)  }
0x63: {  	v1 =	vadd.f32 $1.000000000e+00, v1;
	_ =	sdelay $0x1  }
0x64: {  	(erf) = vrcp.f32 v1;
	_ =	sdelay $0x3  }
0x65: {  	s29 =	sadd.s32 $0x1, s29  }
0x66: {  	p0 =	sne.s32 s29, $0x8  }
.Ltmp1:
0x67: {  	_ = 	snop;
	(pc) =	sbr.rel @p0 .LBB2_2-.Ltmp1, $3  }
0x68: {  	_ =	sdelay $0x1  }
0x69: {  	v1 =	vpop (erf)  }
0x6a: {  	[tilespmem:s30+$0xFC00] =	vst v1  }
0x6b: {  	[tilespmem:s19], [sflag:$0x1] =	stream.strided.gather [hbm4b:s9+s17], $0x2000, s18, s17, $0x38;
	[tilespmem:$0x17E00] =	vst v63  }
0x6c: {  	_ = 	snop  }
0x6d: {  	[tilespmem:s20], [sflag:$0x1] =	stream.strided.gather [hbm4b:s10+s17], $0x2000, s18, s17, $0x38;
	[tilespmem:$0x17E00] =	vst v63  }
0x6e: {  	_ =	swait.ge [sflag:s25], $0x2000  }
0x6f: {  	[sflag:s25] =	ssyncset.done $0x0  }
0x70: {  	[sflag:s25] =	ssyncadd.s32 $0xFFFFE000  }
0x71: {  	_ =	swait.ge [sflag:s25], $0x2000  }
0x72: {  	[sflag:s25] =	ssyncset.done $0x0  }
0x73: {  	s29 =	simm.s32 $0x0;
	s30 =	simm.s32 $0x0;
	[sflag:s25] =	ssyncadd.s32 $0xFFFFE000  }
.LBB2_6:
0x74: {  	s1 =	simm.s32 $0x1  }
0x75: {  	s15 =	simm.s32 $0x2;
	v1 =	vadd.s32 s1, v0  }
0x76: {  	s0 =	sshll.u32 s30, $0x4;
	v3 =	vadd.s32 s15, v0;
	v4 =	vand.u32 $0x3F, v1  }
0x77: {  	s26 =	simm.s32 $0x3;
	v2 =	vld [tilespmem:s0+$0xFA80];
	v1 =	vor.u32 s0, v0;
	v3 =	vand.u32 $0x3F, v3;
	v5 =	vshll.u32 v4, $0x7  }
0x78: {  	v7 =	vadd.s32 s26, v0;
	v6 =	vshll.u32 v3, $0x7;
	v5 =	vadd.s32 v1, v5  }
0x79: {  	v7 =	vand.u32 $0x3F, v7;
	v6 =	vadd.s32 v1, v6  }
0x7a: {  	v10 =	vadd.s32 s29, v0;
	v9 =	vshll.u32 v7, $0x7  }
0x7b: {  	v11 =	vadd.s32 v1, v9;
	v9 =	vand.u32 $0x3F, v10  }
0x7c: {  	v12 =	vshll.u32 v9, $0x7;
	v2 =	vshll.u32 v2, $0x6  }
0x7d: {  	v12 =	vadd.s32 v1, v12;
	v8 =	vor.u32 v2, v3;
	v3 =	vld.idx.msk [tilespmem:v5+s23+$0x0], $0xffff  }
0x7e: {  	v10 =	vld.idx.msk [tilespmem:v6+s23+$0x0], $0xffff  }
0x7f: {  	v4 =	vor.u32 v2, v4;
	v6 =	vld.idx.msk [tilespmem:v6+s22+$0x0], $0xffff  }
0x80: {  	s15 =	simm.s32 $0x5;
	v13 =	vor.u32 v2, v9;
	v19 =	vld.idx.msk [tilespmem:v5+s22+$0x0], $0xffff  }
0x81: {  	s26 =	simm.s32 $0x6;
	v9 =	vadd.s32 s15, v0;
	v5 =	vld.idx.msk [tilespmem:v11+s22+$0x0], $0xffff  }
0x82: {  	v14 =	vadd.s32 s26, v0;
	v15 =	vand.u32 $0x3F, v9;
	v26 =	vld.idx.msk [tilespmem:v12+s22+$0x0], $0xffff  }
0x83: {  	v14 =	vand.u32 $0x3F, v14;
	v7 =	vor.u32 v2, v7;
	v9 =	vshll.u32 v15, $0x7;
	v8 =	vld.idx.msk [tilespmem:v8+s2+$0x0], $0xffff  }
0x84: {  	s26 =	simm.s32 $0x7;
	v16 =	vshll.u32 v14, $0x7;
	v9 =	vadd.s32 v1, v9;
	v22 =	vld.idx.msk [tilespmem:v4+s2+$0x0], $0xffff  }
0x85: {  	v25 =	vadd.s32 v1, v16;
	s15 =	simm.s32 $0x4;
	v17 =	vor.u32 v2, v14;
	v14 =	vadd.s32 s26, v0;
	v24 =	vld.idx.msk [tilespmem:v13+s2+$0x0], $0xffff  }
0x86: {  	v16 =	vadd.s32 s15, v0;
	v18 =	vor.u32 v2, v15;
	v4 =	vimm.f32 $0.0e+00;
	v13 =	vld.idx.msk [tilespmem:v12+s23+$0x0], $0xffff  }
0x87: {  	v12 =	vand.u32 $0x3F, v16;
	v16 =	vand.u32 $0x3F, v14;
	v14 =	vld.idx.msk [tilespmem:v11+s23+$0x0], $0xffff;
	v11 =	vimm.f32 $0.0e+00  }
0x88: {  	v20 =	vld.idx.msk [tilespmem:v7+s2+$0x0], $0xffff;
	v7 =	vshll.u32 v12, $0x7;
	v6 =	vmul.f32 v8, v6;
	v8 =	vshll.u32 v16, $0x7  }
0x89: {  	v21 =	vor.u32 v2, v12;
	v15 =	vadd.s32 v1, v7;
	v12 =	vld.idx.msk [tilespmem:v9+s23+$0x0], $0xffff;
	v8 =	vadd.s32 v1, v8  }
0x8a: {  	v7 =	vimm.f32 $0.0e+00;
	v22 =	vmul.f32 v22, v19;
	v19 =	vld.idx.msk [tilespmem:v25+s22+$0x0], $0xffff;
	v23 =	vmul.f32 v6, v10  }
0x8b: {  	s31 =	sor.u32 $0x80, s0;
	s0 =	simm.s32 $0x8;
	v16 =	vor.u32 v2, v16;
	v24 =	vmul.f32 v24, v26;
	v6 =	vld.idx.msk [tilespmem:v25+s23+$0x0], $0xffff;
	v10 =	vimm.f32 $0.0e+00  }
.LBB2_7:
0x8c: {  	s1 =	sadd.s32 $0x1, s0;
	s15 =	sadd.s32 $0x2, s0;
	s26 =	sadd.s32 $0x3, s0;
	v25 =	vld.idx.msk [tilespmem:v17+s2+$0x0], $0xffff;
	v4 =	vadd.f32 v23, v4  }
0x8d: {  	p0 =	sne.s32 s0, $0x3C;
	v17 =	vadd.s32 s1, v0;
	v23 =	vadd.s32 s15, v0;
	v26 =	vld.idx.msk [tilespmem:v9+s22+$0x0], $0xffff;
	v9 =	vmul.f32 v20, v5;
	s1 =	smov.u32 s0;
	s0 =	sadd.s32 $0x4, s0  }
0x8e: {  	v13 =	vmul.f32 v24, v13;
	v20 =	vand.u32 $0x3F, v17;
	v17 =	vand.u32 $0x3F, v23;
	v5 =	vld.idx.msk [tilespmem:v8+s22+$0x0], $0xffff  }
0x8f: {  	v23 =	vshll.u32 v20, $0x7;
	v24 =	vshll.u32 v17, $0x7;
	v27 =	vld.idx.msk [tilespmem:v18+s2+$0x0], $0xffff;
	v14 =	vmul.f32 v9, v14  }
0x90: {  	v9 =	vadd.s32 v1, v23;
	v24 =	vadd.s32 v1, v24;
	v28 =	vld.idx.msk [tilespmem:v21+s2+$0x0], $0xffff;
	v21 =	vmul.f32 v22, v3  }
0x91: {  	v17 =	vor.u32 v2, v17;
	v11 =	vadd.f32 v13, v11;
	v22 =	vadd.s32 s26, v0;
	v3 =	vmovc v12;
	v29 =	vld.idx.msk [tilespmem:v15+s22+$0x0], $0xffff  }
0x92: {  	v18 =	vor.u32 v2, v20;
	v12 =	vadd.s32 s1, v0;
	v7 =	vadd.f32 v14, v7;
	v13 =	vld.idx.msk [tilespmem:v15+s23+$0x0], $0xffff  }
.Ltmp2:
0x93: {  	v12 =	vand.u32 $0x3F, v12;
	v22 =	vand.u32 $0x3F, v22;
	v19 =	vmul.f32 v25, v19;
	v20 =	vld.idx.msk [tilespmem:v16+s2+$0x0], $0xffff;
	(pc) =	sbr.rel @p0 .LBB2_7-.Ltmp2, $4  }
0x94: {  	v15 =	vshll.u32 v12, $0x7;
	v10 =	vadd.f32 v21, v10;
	v16 =	vshll.u32 v22, $0x7;
	v14 =	vld.idx.msk [tilespmem:v8+s23+$0x0], $0xffff  }
0x95: {  	v21 =	vor.u32 v2, v12;
	v15 =	vadd.s32 v1, v15;
	v8 =	vadd.s32 v1, v16;
	v12 =	vld.idx.msk [tilespmem:v9+s23+$0x0], $0xffff  }
0x96: {  	v23 =	vmul.f32 v19, v6;
	v16 =	vor.u32 v2, v22;
	v6 =	vld.idx.msk [tilespmem:v24+s23+$0x0], $0xffff  }
0x97: {  	v22 =	vmul.f32 v27, v26;
	v19 =	vld.idx.msk [tilespmem:v24+s22+$0x0], $0xffff;
	v24 =	vmul.f32 v28, v29  }
0x98: {  	_ =	sdelay $0x3  }
0x99: {  	v1 =	vld.idx.msk [tilespmem:v9+s22+$0x0], $0xffff  }
0x9a: {  	v2 =	vld.idx.msk [tilespmem:v18+s2+$0x0], $0xffff  }
0x9b: {  	v55 =	vld.idx.msk [tilespmem:v21+s2+$0x0], $0xffff  }
0x9c: {  	v56 =	vld.idx.msk [tilespmem:v15+s22+$0x0], $0xffff  }
0x9d: {  	v17 =	vld.idx.msk [tilespmem:v17+s2+$0x0], $0xffff  }
0x9e: {  	v57 =	vld.idx.msk [tilespmem:v15+s23+$0x0], $0xffff  }
0x9f: {  	v58 =	vld.idx.msk [tilespmem:v8+s22+$0x0], $0xffff  }
0xa0: {  	v16 =	vld.idx.msk [tilespmem:v16+s2+$0x0], $0xffff  }
0xa1: {  	v13 =	vmul.f32 v24, v13;
	v3 =	vmul.f32 v22, v3  }
0xa2: {  	v9 =	vmul.f32 v55, v56;
	v1 =	vmul.f32 v2, v1  }
0xa3: {  	v61 =	vld.idx.msk [tilespmem:v8+s23+$0x0], $0xffff;
	v59 =	vadd.f32 v13, v11;
	v2 =	vmul.f32 v20, v5;
	v60 =	vmul.f32 v17, v19  }
0xa4: {  	v3 =	vadd.f32 v3, v10;
	v9 =	vmul.f32 v9, v57;
	v1 =	vmul.f32 v1, v12  }
0xa5: {  	v4 =	vadd.f32 v23, v4;
	v62 =	vmul.f32 v16, v58;
	v2 =	vmul.f32 v2, v14  }
0xa6: {  	v6 =	vmul.f32 v60, v6;
	v5 =	vadd.f32 v9, v59;
	v1 =	vadd.f32 v1, v3  }
0xa7: {  	v2 =	vadd.f32 v2, v7  }
0xa8: {  	v63 =	vmul.f32 v62, v61;
	v3 =	vadd.f32 v6, v4;
	v1 =	vadd.f32 v1, v5;
	_ =	sdelay $0x1  }
0xa9: {  	v2 =	vadd.f32 v63, v2;
	v1 =	vadd.f32 v3, v1;
	_ =	sdelay $0x1  }
0xaa: {  	v1 =	vadd.f32 v2, v1;
	_ =	sdelay $0x1  }
0xab: {  	v1 =	vsub.f32 $0.0e+00, v1;
	_ =	sdelay $0x1  }
0xac: {  	v1 =	vmul.f32 $1.442695020e+00, v1;
	_ =	sdelay $0x1  }
0xad: {  	(erf) = vpow2.f32 v1;
	_ =	sdelay $0x8  }
0xae: {  	v1 =	vpop (erf)  }
0xaf: {  	v1 =	vadd.f32 $1.000000000e+00, v1;
	_ =	sdelay $0x1  }
0xb0: {  	(erf) = vrcp.f32 v1;
	_ =	sdelay $0x3  }
0xb1: {  	s30 =	sadd.s32 $0x1, s30  }
0xb2: {  	p0 =	sne.s32 s30, $0x8  }
.Ltmp3:
0xb3: {  	_ = 	snop;
	(pc) =	sbr.rel @p0 .LBB2_6-.Ltmp3, $3  }
0xb4: {  	_ =	sdelay $0x1  }
0xb5: {  	v1 =	vpop (erf)  }
0xb6: {  	[tilespmem:s31+$0xFC00] =	vst v1  }
0xb7: {  	[tilespmem:s22], [sflag:$0x2] =	stream.strided.gather [hbm4b:s11+s17], $0x2000, s18, s17, $0x38;
	[tilespmem:$0x17E00] =	vst v63  }
0xb8: {  	_ = 	snop  }
0xb9: {  	[tilespmem:s23], [sflag:$0x2] =	stream.strided.gather [hbm4b:s12+s17], $0x2000, s18, s17, $0x38;
	[tilespmem:$0x17E00] =	vst v63  }
0xba: {  	_ =	swait.ge [sflag:s24], $0x2000  }
0xbb: {  	[sflag:s24] =	ssyncset.done $0x0  }
0xbc: {  	[sflag:s24] =	ssyncadd.s32 $0xFFFFE000  }
0xbd: {  	_ =	swait.ge [sflag:s24], $0x2000  }
0xbe: {  	[sflag:s24] =	ssyncset.done $0x0  }
0xbf: {  	s29 =	simm.s32 $0x0;
	s30 =	simm.s32 $0x0;
	[sflag:s24] =	ssyncadd.s32 $0xFFFFE000  }
.LBB2_10:
0xc0: {  	s1 =	simm.s32 $0x1  }
0xc1: {  	s15 =	simm.s32 $0x2;
	v1 =	vadd.s32 s1, v0  }
0xc2: {  	s0 =	sshll.u32 s30, $0x4;
	v3 =	vadd.s32 s15, v0;
	v4 =	vand.u32 $0x3F, v1  }
0xc3: {  	s26 =	simm.s32 $0x3;
	v2 =	vld [tilespmem:s0+$0xFB00];
	v1 =	vor.u32 s0, v0;
	v3 =	vand.u32 $0x3F, v3;
	v5 =	vshll.u32 v4, $0x7  }
0xc4: {  	v7 =	vadd.s32 s26, v0;
	v6 =	vshll.u32 v3, $0x7;
	v5 =	vadd.s32 v1, v5  }
0xc5: {  	v7 =	vand.u32 $0x3F, v7;
	v6 =	vadd.s32 v1, v6  }
0xc6: {  	v10 =	vadd.s32 s29, v0;
	v9 =	vshll.u32 v7, $0x7  }
0xc7: {  	v11 =	vadd.s32 v1, v9;
	v9 =	vand.u32 $0x3F, v10  }
0xc8: {  	v12 =	vshll.u32 v9, $0x7;
	v2 =	vshll.u32 v2, $0x6  }
0xc9: {  	v12 =	vadd.s32 v1, v12;
	v8 =	vor.u32 v2, v3;
	v3 =	vld.idx.msk [tilespmem:v5+s20+$0x0], $0xffff  }
0xca: {  	v10 =	vld.idx.msk [tilespmem:v6+s20+$0x0], $0xffff  }
0xcb: {  	v4 =	vor.u32 v2, v4;
	v6 =	vld.idx.msk [tilespmem:v6+s19+$0x0], $0xffff  }
0xcc: {  	s15 =	simm.s32 $0x5;
	v13 =	vor.u32 v2, v9;
	v19 =	vld.idx.msk [tilespmem:v5+s19+$0x0], $0xffff  }
0xcd: {  	s26 =	simm.s32 $0x6;
	v9 =	vadd.s32 s15, v0;
	v5 =	vld.idx.msk [tilespmem:v11+s19+$0x0], $0xffff  }
0xce: {  	v14 =	vadd.s32 s26, v0;
	v15 =	vand.u32 $0x3F, v9;
	v26 =	vld.idx.msk [tilespmem:v12+s19+$0x0], $0xffff  }
0xcf: {  	v14 =	vand.u32 $0x3F, v14;
	v7 =	vor.u32 v2, v7;
	v9 =	vshll.u32 v15, $0x7;
	v8 =	vld.idx.msk [tilespmem:v8+s2+$0x0], $0xffff  }
0xd0: {  	s26 =	simm.s32 $0x7;
	v16 =	vshll.u32 v14, $0x7;
	v9 =	vadd.s32 v1, v9;
	v22 =	vld.idx.msk [tilespmem:v4+s2+$0x0], $0xffff  }
0xd1: {  	v25 =	vadd.s32 v1, v16;
	s15 =	simm.s32 $0x4;
	v17 =	vor.u32 v2, v14;
	v14 =	vadd.s32 s26, v0;
	v24 =	vld.idx.msk [tilespmem:v13+s2+$0x0], $0xffff  }
0xd2: {  	v16 =	vadd.s32 s15, v0;
	v18 =	vor.u32 v2, v15;
	v4 =	vimm.f32 $0.0e+00;
	v13 =	vld.idx.msk [tilespmem:v12+s20+$0x0], $0xffff  }
0xd3: {  	v12 =	vand.u32 $0x3F, v16;
	v16 =	vand.u32 $0x3F, v14;
	v14 =	vld.idx.msk [tilespmem:v11+s20+$0x0], $0xffff;
	v11 =	vimm.f32 $0.0e+00  }
0xd4: {  	v20 =	vld.idx.msk [tilespmem:v7+s2+$0x0], $0xffff;
	v7 =	vshll.u32 v12, $0x7;
	v6 =	vmul.f32 v8, v6;
	v8 =	vshll.u32 v16, $0x7  }
0xd5: {  	v21 =	vor.u32 v2, v12;
	v15 =	vadd.s32 v1, v7;
	v12 =	vld.idx.msk [tilespmem:v9+s20+$0x0], $0xffff;
	v8 =	vadd.s32 v1, v8  }
0xd6: {  	v7 =	vimm.f32 $0.0e+00;
	v22 =	vmul.f32 v22, v19;
	v19 =	vld.idx.msk [tilespmem:v25+s19+$0x0], $0xffff;
	v23 =	vmul.f32 v6, v10  }
0xd7: {  	s31 =	sor.u32 $0x100, s0;
	s0 =	simm.s32 $0x8;
	v16 =	vor.u32 v2, v16;
	v24 =	vmul.f32 v24, v26;
	v6 =	vld.idx.msk [tilespmem:v25+s20+$0x0], $0xffff;
	v10 =	vimm.f32 $0.0e+00  }
.LBB2_11:
0xd8: {  	s1 =	sadd.s32 $0x1, s0;
	s15 =	sadd.s32 $0x2, s0;
	s26 =	sadd.s32 $0x3, s0;
	v25 =	vld.idx.msk [tilespmem:v17+s2+$0x0], $0xffff;
	v4 =	vadd.f32 v23, v4  }
0xd9: {  	p0 =	sne.s32 s0, $0x3C;
	v17 =	vadd.s32 s1, v0;
	v23 =	vadd.s32 s15, v0;
	v26 =	vld.idx.msk [tilespmem:v9+s19+$0x0], $0xffff;
	v9 =	vmul.f32 v20, v5;
	s1 =	smov.u32 s0;
	s0 =	sadd.s32 $0x4, s0  }
0xda: {  	v13 =	vmul.f32 v24, v13;
	v20 =	vand.u32 $0x3F, v17;
	v17 =	vand.u32 $0x3F, v23;
	v5 =	vld.idx.msk [tilespmem:v8+s19+$0x0], $0xffff  }
0xdb: {  	v23 =	vshll.u32 v20, $0x7;
	v24 =	vshll.u32 v17, $0x7;
	v27 =	vld.idx.msk [tilespmem:v18+s2+$0x0], $0xffff;
	v14 =	vmul.f32 v9, v14  }
0xdc: {  	v9 =	vadd.s32 v1, v23;
	v24 =	vadd.s32 v1, v24;
	v28 =	vld.idx.msk [tilespmem:v21+s2+$0x0], $0xffff;
	v21 =	vmul.f32 v22, v3  }
0xdd: {  	v17 =	vor.u32 v2, v17;
	v11 =	vadd.f32 v13, v11;
	v22 =	vadd.s32 s26, v0;
	v3 =	vmovc v12;
	v29 =	vld.idx.msk [tilespmem:v15+s19+$0x0], $0xffff  }
0xde: {  	v18 =	vor.u32 v2, v20;
	v12 =	vadd.s32 s1, v0;
	v7 =	vadd.f32 v14, v7;
	v13 =	vld.idx.msk [tilespmem:v15+s20+$0x0], $0xffff  }
.Ltmp4:
0xdf: {  	v12 =	vand.u32 $0x3F, v12;
	v22 =	vand.u32 $0x3F, v22;
	v19 =	vmul.f32 v25, v19;
	v20 =	vld.idx.msk [tilespmem:v16+s2+$0x0], $0xffff;
	(pc) =	sbr.rel @p0 .LBB2_11-.Ltmp4, $4  }
0xe0: {  	v15 =	vshll.u32 v12, $0x7;
	v10 =	vadd.f32 v21, v10;
	v16 =	vshll.u32 v22, $0x7;
	v14 =	vld.idx.msk [tilespmem:v8+s20+$0x0], $0xffff  }
0xe1: {  	v21 =	vor.u32 v2, v12;
	v15 =	vadd.s32 v1, v15;
	v8 =	vadd.s32 v1, v16;
	v12 =	vld.idx.msk [tilespmem:v9+s20+$0x0], $0xffff  }
0xe2: {  	v23 =	vmul.f32 v19, v6;
	v16 =	vor.u32 v2, v22;
	v6 =	vld.idx.msk [tilespmem:v24+s20+$0x0], $0xffff  }
0xe3: {  	v22 =	vmul.f32 v27, v26;
	v19 =	vld.idx.msk [tilespmem:v24+s19+$0x0], $0xffff;
	v24 =	vmul.f32 v28, v29  }
0xe4: {  	_ =	sdelay $0x3  }
0xe5: {  	v1 =	vld.idx.msk [tilespmem:v9+s19+$0x0], $0xffff  }
0xe6: {  	v2 =	vld.idx.msk [tilespmem:v18+s2+$0x0], $0xffff  }
0xe7: {  	v55 =	vld.idx.msk [tilespmem:v21+s2+$0x0], $0xffff  }
0xe8: {  	v56 =	vld.idx.msk [tilespmem:v15+s19+$0x0], $0xffff  }
0xe9: {  	v17 =	vld.idx.msk [tilespmem:v17+s2+$0x0], $0xffff  }
0xea: {  	v57 =	vld.idx.msk [tilespmem:v15+s20+$0x0], $0xffff  }
0xeb: {  	v58 =	vld.idx.msk [tilespmem:v8+s19+$0x0], $0xffff  }
0xec: {  	v16 =	vld.idx.msk [tilespmem:v16+s2+$0x0], $0xffff  }
0xed: {  	v13 =	vmul.f32 v24, v13;
	v3 =	vmul.f32 v22, v3  }
0xee: {  	v9 =	vmul.f32 v55, v56;
	v1 =	vmul.f32 v2, v1  }
0xef: {  	v61 =	vld.idx.msk [tilespmem:v8+s20+$0x0], $0xffff;
	v59 =	vadd.f32 v13, v11;
	v2 =	vmul.f32 v20, v5;
	v60 =	vmul.f32 v17, v19  }
0xf0: {  	v3 =	vadd.f32 v3, v10;
	v9 =	vmul.f32 v9, v57;
	v1 =	vmul.f32 v1, v12  }
0xf1: {  	v4 =	vadd.f32 v23, v4;
	v62 =	vmul.f32 v16, v58;
	v2 =	vmul.f32 v2, v14  }
0xf2: {  	v6 =	vmul.f32 v60, v6;
	v5 =	vadd.f32 v9, v59;
	v1 =	vadd.f32 v1, v3  }
0xf3: {  	v2 =	vadd.f32 v2, v7  }
0xf4: {  	v63 =	vmul.f32 v62, v61;
	v3 =	vadd.f32 v6, v4;
	v1 =	vadd.f32 v1, v5;
	_ =	sdelay $0x1  }
0xf5: {  	v2 =	vadd.f32 v63, v2;
	v1 =	vadd.f32 v3, v1;
	_ =	sdelay $0x1  }
0xf6: {  	v1 =	vadd.f32 v2, v1;
	_ =	sdelay $0x1  }
0xf7: {  	v1 =	vsub.f32 $0.0e+00, v1;
	_ =	sdelay $0x1  }
0xf8: {  	v1 =	vmul.f32 $1.442695020e+00, v1;
	_ =	sdelay $0x1  }
0xf9: {  	(erf) = vpow2.f32 v1;
	_ =	sdelay $0x8  }
0xfa: {  	v1 =	vpop (erf)  }
0xfb: {  	v1 =	vadd.f32 $1.000000000e+00, v1;
	_ =	sdelay $0x1  }
0xfc: {  	(erf) = vrcp.f32 v1;
	_ =	sdelay $0x3  }
0xfd: {  	s30 =	sadd.s32 $0x1, s30  }
0xfe: {  	p0 =	sne.s32 s30, $0x8  }
.Ltmp5:
0xff: {  	_ = 	snop;
	(pc) =	sbr.rel @p0 .LBB2_10-.Ltmp5, $3  }
0x100: {  	_ =	sdelay $0x1  }
0x101: {  	v1 =	vpop (erf)  }
0x102: {  	[tilespmem:s31+$0xFC00] =	vst v1  }
0x103: {  	_ =	swait.ge [sflag:s25], $0x2000  }
0x104: {  	[sflag:s25] =	ssyncset.done $0x0  }
0x105: {  	[sflag:s25] =	ssyncadd.s32 $0xFFFFE000  }
0x106: {  	_ =	swait.ge [sflag:s25], $0x2000  }
0x107: {  	[sflag:s25] =	ssyncset.done $0x0  }
0x108: {  	s29 =	simm.s32 $0x0;
	s30 =	simm.s32 $0x0;
	[sflag:s25] =	ssyncadd.s32 $0xFFFFE000  }
.LBB2_14:
0x109: {  	s1 =	simm.s32 $0x1  }
0x10a: {  	s15 =	simm.s32 $0x2;
	v1 =	vadd.s32 s1, v0  }
0x10b: {  	s0 =	sshll.u32 s30, $0x4;
	v3 =	vadd.s32 s15, v0;
	v4 =	vand.u32 $0x3F, v1  }
0x10c: {  	s26 =	simm.s32 $0x3;
	v2 =	vld [tilespmem:s0+$0xFB80];
	v1 =	vor.u32 s0, v0;
	v3 =	vand.u32 $0x3F, v3;
	v5 =	vshll.u32 v4, $0x7  }
0x10d: {  	v7 =	vadd.s32 s26, v0;
	v6 =	vshll.u32 v3, $0x7;
	v5 =	vadd.s32 v1, v5  }
0x10e: {  	v7 =	vand.u32 $0x3F, v7;
	v6 =	vadd.s32 v1, v6  }
0x10f: {  	v10 =	vadd.s32 s29, v0;
	v9 =	vshll.u32 v7, $0x7  }
0x110: {  	v11 =	vadd.s32 v1, v9;
	v9 =	vand.u32 $0x3F, v10  }
0x111: {  	v12 =	vshll.u32 v9, $0x7;
	v2 =	vshll.u32 v2, $0x6  }
0x112: {  	v12 =	vadd.s32 v1, v12;
	v8 =	vor.u32 v2, v3;
	v3 =	vld.idx.msk [tilespmem:v5+s23+$0x0], $0xffff  }
0x113: {  	v10 =	vld.idx.msk [tilespmem:v6+s23+$0x0], $0xffff  }
0x114: {  	v4 =	vor.u32 v2, v4;
	v6 =	vld.idx.msk [tilespmem:v6+s22+$0x0], $0xffff  }
0x115: {  	s15 =	simm.s32 $0x5;
	v13 =	vor.u32 v2, v9;
	v19 =	vld.idx.msk [tilespmem:v5+s22+$0x0], $0xffff  }
0x116: {  	s26 =	simm.s32 $0x6;
	v9 =	vadd.s32 s15, v0;
	v5 =	vld.idx.msk [tilespmem:v11+s22+$0x0], $0xffff  }
0x117: {  	v14 =	vadd.s32 s26, v0;
	v15 =	vand.u32 $0x3F, v9;
	v26 =	vld.idx.msk [tilespmem:v12+s22+$0x0], $0xffff  }
0x118: {  	v14 =	vand.u32 $0x3F, v14;
	v7 =	vor.u32 v2, v7;
	v9 =	vshll.u32 v15, $0x7;
	v8 =	vld.idx.msk [tilespmem:v8+s2+$0x0], $0xffff  }
0x119: {  	s26 =	simm.s32 $0x7;
	v16 =	vshll.u32 v14, $0x7;
	v9 =	vadd.s32 v1, v9;
	v22 =	vld.idx.msk [tilespmem:v4+s2+$0x0], $0xffff  }
0x11a: {  	v25 =	vadd.s32 v1, v16;
	s15 =	simm.s32 $0x4;
	v17 =	vor.u32 v2, v14;
	v14 =	vadd.s32 s26, v0;
	v24 =	vld.idx.msk [tilespmem:v13+s2+$0x0], $0xffff  }
0x11b: {  	v16 =	vadd.s32 s15, v0;
	v18 =	vor.u32 v2, v15;
	v4 =	vimm.f32 $0.0e+00;
	v13 =	vld.idx.msk [tilespmem:v12+s23+$0x0], $0xffff  }
0x11c: {  	v12 =	vand.u32 $0x3F, v16;
	v16 =	vand.u32 $0x3F, v14;
	v14 =	vld.idx.msk [tilespmem:v11+s23+$0x0], $0xffff;
	v11 =	vimm.f32 $0.0e+00  }
0x11d: {  	v20 =	vld.idx.msk [tilespmem:v7+s2+$0x0], $0xffff;
	v7 =	vshll.u32 v12, $0x7;
	v6 =	vmul.f32 v8, v6;
	v8 =	vshll.u32 v16, $0x7  }
0x11e: {  	v21 =	vor.u32 v2, v12;
	v15 =	vadd.s32 v1, v7;
	v12 =	vld.idx.msk [tilespmem:v9+s23+$0x0], $0xffff;
	v8 =	vadd.s32 v1, v8  }
0x11f: {  	v7 =	vimm.f32 $0.0e+00;
	v22 =	vmul.f32 v22, v19;
	v19 =	vld.idx.msk [tilespmem:v25+s22+$0x0], $0xffff;
	v23 =	vmul.f32 v6, v10  }
0x120: {  	s31 =	sor.u32 $0x180, s0;
	s0 =	simm.s32 $0x8;
	v16 =	vor.u32 v2, v16;
	v24 =	vmul.f32 v24, v26;
	v6 =	vld.idx.msk [tilespmem:v25+s23+$0x0], $0xffff;
	v10 =	vimm.f32 $0.0e+00  }
.LBB2_15:
0x121: {  	s1 =	sadd.s32 $0x1, s0;
	s15 =	sadd.s32 $0x2, s0;
	s26 =	sadd.s32 $0x3, s0;
	v25 =	vld.idx.msk [tilespmem:v17+s2+$0x0], $0xffff;
	v4 =	vadd.f32 v23, v4  }
0x122: {  	p0 =	sne.s32 s0, $0x3C;
	v17 =	vadd.s32 s1, v0;
	v23 =	vadd.s32 s15, v0;
	v26 =	vld.idx.msk [tilespmem:v9+s22+$0x0], $0xffff;
	v9 =	vmul.f32 v20, v5;
	s1 =	smov.u32 s0;
	s0 =	sadd.s32 $0x4, s0  }
0x123: {  	v13 =	vmul.f32 v24, v13;
	v20 =	vand.u32 $0x3F, v17;
	v17 =	vand.u32 $0x3F, v23;
	v5 =	vld.idx.msk [tilespmem:v8+s22+$0x0], $0xffff  }
0x124: {  	v23 =	vshll.u32 v20, $0x7;
	v24 =	vshll.u32 v17, $0x7;
	v27 =	vld.idx.msk [tilespmem:v18+s2+$0x0], $0xffff;
	v14 =	vmul.f32 v9, v14  }
0x125: {  	v9 =	vadd.s32 v1, v23;
	v24 =	vadd.s32 v1, v24;
	v28 =	vld.idx.msk [tilespmem:v21+s2+$0x0], $0xffff;
	v21 =	vmul.f32 v22, v3  }
0x126: {  	v17 =	vor.u32 v2, v17;
	v11 =	vadd.f32 v13, v11;
	v22 =	vadd.s32 s26, v0;
	v3 =	vmovc v12;
	v29 =	vld.idx.msk [tilespmem:v15+s22+$0x0], $0xffff  }
0x127: {  	v18 =	vor.u32 v2, v20;
	v12 =	vadd.s32 s1, v0;
	v7 =	vadd.f32 v14, v7;
	v13 =	vld.idx.msk [tilespmem:v15+s23+$0x0], $0xffff  }
.Ltmp6:
0x128: {  	v12 =	vand.u32 $0x3F, v12;
	v22 =	vand.u32 $0x3F, v22;
	v19 =	vmul.f32 v25, v19;
	v20 =	vld.idx.msk [tilespmem:v16+s2+$0x0], $0xffff;
	(pc) =	sbr.rel @p0 .LBB2_15-.Ltmp6, $4  }
0x129: {  	v15 =	vshll.u32 v12, $0x7;
	v10 =	vadd.f32 v21, v10;
	v16 =	vshll.u32 v22, $0x7;
	v14 =	vld.idx.msk [tilespmem:v8+s23+$0x0], $0xffff  }
0x12a: {  	v21 =	vor.u32 v2, v12;
	v15 =	vadd.s32 v1, v15;
	v8 =	vadd.s32 v1, v16;
	v12 =	vld.idx.msk [tilespmem:v9+s23+$0x0], $0xffff  }
0x12b: {  	v23 =	vmul.f32 v19, v6;
	v16 =	vor.u32 v2, v22;
	v6 =	vld.idx.msk [tilespmem:v24+s23+$0x0], $0xffff  }
0x12c: {  	v22 =	vmul.f32 v27, v26;
	v19 =	vld.idx.msk [tilespmem:v24+s22+$0x0], $0xffff;
	v24 =	vmul.f32 v28, v29  }
0x12d: {  	_ =	sdelay $0x3  }
0x12e: {  	v1 =	vld.idx.msk [tilespmem:v9+s22+$0x0], $0xffff  }
0x12f: {  	v2 =	vld.idx.msk [tilespmem:v18+s2+$0x0], $0xffff  }
0x130: {  	v55 =	vld.idx.msk [tilespmem:v21+s2+$0x0], $0xffff  }
0x131: {  	v56 =	vld.idx.msk [tilespmem:v15+s22+$0x0], $0xffff  }
0x132: {  	v17 =	vld.idx.msk [tilespmem:v17+s2+$0x0], $0xffff  }
0x133: {  	v57 =	vld.idx.msk [tilespmem:v15+s23+$0x0], $0xffff  }
0x134: {  	v58 =	vld.idx.msk [tilespmem:v8+s22+$0x0], $0xffff  }
0x135: {  	v16 =	vld.idx.msk [tilespmem:v16+s2+$0x0], $0xffff  }
0x136: {  	v13 =	vmul.f32 v24, v13;
	v3 =	vmul.f32 v22, v3  }
0x137: {  	v9 =	vmul.f32 v55, v56;
	v1 =	vmul.f32 v2, v1  }
0x138: {  	v61 =	vld.idx.msk [tilespmem:v8+s23+$0x0], $0xffff;
	v59 =	vadd.f32 v13, v11;
	v2 =	vmul.f32 v20, v5;
	v60 =	vmul.f32 v17, v19  }
0x139: {  	v3 =	vadd.f32 v3, v10;
	v9 =	vmul.f32 v9, v57;
	v1 =	vmul.f32 v1, v12  }
0x13a: {  	v4 =	vadd.f32 v23, v4;
	v62 =	vmul.f32 v16, v58;
	v2 =	vmul.f32 v2, v14  }
0x13b: {  	v6 =	vmul.f32 v60, v6;
	v5 =	vadd.f32 v9, v59;
	v1 =	vadd.f32 v1, v3  }
0x13c: {  	v2 =	vadd.f32 v2, v7  }
0x13d: {  	v63 =	vmul.f32 v62, v61;
	v3 =	vadd.f32 v6, v4;
	v1 =	vadd.f32 v1, v5;
	_ =	sdelay $0x1  }
0x13e: {  	v2 =	vadd.f32 v63, v2;
	v1 =	vadd.f32 v3, v1;
	_ =	sdelay $0x1  }
0x13f: {  	v1 =	vadd.f32 v2, v1;
	_ =	sdelay $0x1  }
0x140: {  	v1 =	vsub.f32 $0.0e+00, v1;
	_ =	sdelay $0x1  }
0x141: {  	v1 =	vmul.f32 $1.442695020e+00, v1;
	_ =	sdelay $0x1  }
0x142: {  	(erf) = vpow2.f32 v1;
	_ =	sdelay $0x8  }
0x143: {  	v1 =	vpop (erf)  }
0x144: {  	v1 =	vadd.f32 $1.000000000e+00, v1;
	_ =	sdelay $0x1  }
0x145: {  	(erf) = vrcp.f32 v1;
	_ =	sdelay $0x3  }
0x146: {  	s30 =	sadd.s32 $0x1, s30  }
0x147: {  	p0 =	sne.s32 s30, $0x8  }
.Ltmp7:
0x148: {  	_ = 	snop;
	(pc) =	sbr.rel @p0 .LBB2_14-.Ltmp7, $3  }
0x149: {  	_ =	sdelay $0x1  }
0x14a: {  	v1 =	vpop (erf)  }
0x14b: {  	[tilespmem:s31+$0xFC00] =	vst v1  }
0x14c: {  	s28 =	sadd.s32 $0x1, s28  }
0x14d: {  	p0 =	sne.s32 s28, s14  }
.Ltmp8:
0x14e: {  	s0 =	simm.s32 $0xFC00;
	(pc) =	sbr.rel @p0 .LBB2_1-.Ltmp8, $4  }
0x14f: {  	[hbm4b:s13+s2] =	stream.linear.scatter [tilespmem:s0], [sflag:$0x4], $0x200, $0x38;
	[tilespmem:$0x17E00] =	vst v63  }
0x150: {  	_ =	swait.ge [sflag:s16], $0x200  }
0x151: {  	[sflag:s16] =	ssyncset.done $0x0  }
0x152: {  	[sflag:s16] =	ssyncadd.s32 $0xFFFFFE00  }
0x153: {  	_ =	sfence.sel $0x180000  }
0x154: {  	[bflag:$0x0] =	sbarrier.arrive $0xFFFF  }
0x155: {  	_ =	strace $0x90000047  }
0x156: {  	s0 =	stileid.u32;
	[bflag:$0x2] =	sbarrier.arrive $0xFFFF  }
0x157: {  	p0 =	sne.s32 s0, $0x0;
	s0 =	rddreg [dreg:$0x5]  }
0x158: {  	s0 =	sadd.s32 @!p0 $0x100000, s0  }
0x159: {  	[sflag:s0] =	ssyncadd.tile.s32 @!p0 $0x1;
	_ =	shalt  }
.Lfunc_end2:
_tile_overlayer_lowered:
.L_overlay_start_2:
0x15a: {  	(tag) =	ssettag $0x2  }
0x15b: {  	s0 =	rddreg [dreg:$0x0];
	s2 =	stileid.u32  }
0x15c: {  	s1 =	rddreg [dreg:$0x1];
	p0 =	sne.s32 s2, $0x0  }
0x15d: {  	s3 =	rddreg [dreg:$0x2];
	[bflag:$0x3] =	sbarrier.arrive $0xFFFF;
	s2 =	simm.s32 @!p0 $0x1C04  }
0x15e: {  	[timem:s3], [sflag:s2] =	dma.local @!p0 [hbm:s0], s1  }
0x15f: {  	s0 =	simm.s32 @!p0 $0x4  }
0x160: {  	_ =	swait.ge @!p0 [sflag:s0], s1  }
0x161: {  	s1 =	ssub.s32 @!p0 $0x0, s1;
	[sflag:s0] =	ssyncset.done @!p0 $0x0  }
0x162: {  	[sflag:s0] =	ssyncadd.s32 @!p0 s1  }
0x163: {  	[bflag:$0x3] =	sbarrier.arrive $0xFFFF  }
0x164: {  	_ =	shalt  }

</sc_bundles>
